<compile_context>
chip_gen: v7x
topology: tpu7x:2x2x1
jax: 0.10.2.dev20260603
libtpu: 0.0.44.dev20260713+nightly
codegen_flags: <defaults>
</compile_context>

<pallas_src>
import functools

import jax
import jax.numpy as jnp
from jax import lax
from jax.experimental import pallas as pl
from jax.experimental.pallas import tpu as pltpu
from jax.experimental.pallas import tpu_sc as plsc

_ATOMS = 51
_V_MAX = 10.0
_V_MIN = -10.0
_DELTA = (_V_MAX - _V_MIN) / (_ATOMS - 1)
_BATCH = 16384

_NUM_CORES = 2
_NUM_SUBCORES = 16
_NUM_WORKERS = _NUM_CORES * _NUM_SUBCORES

_SC_ROWS = 4096
_TC_ROWS = _BATCH - _SC_ROWS
_ROWS_PER_WORKER = _SC_ROWS // _NUM_WORKERS
_WORDS_PER_WORKER = _ROWS_PER_WORKER * _ATOMS
_VECS_PER_WORKER = _WORDS_PER_WORKER // 16

_TC_BLOCKS = 4
_TC_BLOCK_ROWS = _TC_ROWS // _TC_BLOCKS

_LN2 = 0.6931471805599453


def _projection_matrix():
    supports = jnp.linspace(_V_MIN, _V_MAX, _ATOMS).astype(jnp.float32)
    tz = jnp.clip(supports, _V_MIN, _V_MAX)
    b = (tz - _V_MIN) / _DELTA
    l = jnp.floor(b).astype(jnp.int32)
    u = jnp.ceil(b).astype(jnp.int32)
    l = jnp.where((u > 0) & (l == u), l - 1, l)
    u = jnp.where((l < _ATOMS - 1) & (l == u), u + 1, u)
    wl = u.astype(jnp.float32) - b
    wu = b - l.astype(jnp.float32)
    cols = jnp.arange(_ATOMS, dtype=jnp.int32)[None, :]
    p = wl[:, None] * (l[:, None] == cols).astype(jnp.float32)
    p = p + wu[:, None] * (u[:, None] == cols).astype(jnp.float32)
    return p




def _tc_block(proj_ref, anchor_ref, feature_ref, out_ref):
    a = anchor_ref[...]
    f = feature_ref[...]
    s = jnp.dot(a, proj_ref[...], preferred_element_type=jnp.float32)
    slog = jnp.where(s == 0.0, 0.0, s * jnp.log(s))
    pointwise = slog - s * jnp.log(f + 1e-16)
    block_sum = jnp.sum(pointwise, axis=(0, 1), keepdims=True)

    @pl.when(pl.program_id(0) == 0)
    def _init():
        out_ref[...] = jnp.zeros((1, 1), jnp.float32)

    out_ref[...] += block_sum


def _tc_partial(anchor, feature):
    return pl.pallas_call(
        _tc_block,
        grid=(_TC_BLOCKS,),
        in_specs=[
            pl.BlockSpec((_ATOMS, _ATOMS), lambda i: (0, 0)),
            pl.BlockSpec((_TC_BLOCK_ROWS, _ATOMS), lambda i: (i, 0)),
            pl.BlockSpec((_TC_BLOCK_ROWS, _ATOMS), lambda i: (i, 0)),
        ],
        out_specs=pl.BlockSpec((1, 1), lambda i: (0, 0)),
        out_shape=jax.ShapeDtypeStruct((1, 1), jnp.float32),
    )(_projection_matrix(), anchor, feature)




def _log16(x):
    bits = lax.bitcast_convert_type(x, jnp.int32)
    e = ((bits >> 23) & 255) - 127
    m = lax.bitcast_convert_type(
        (bits & 0x007FFFFF) | 0x3F800000, jnp.float32)
    big = m > 1.4142135
    m = jnp.where(big, m * 0.5, m)
    e = jnp.where(big, e + 1, e)
    t = (m - 1.0) / (m + 1.0)
    t2 = t * t
    p = 1.0 + t2 * (0.33333334 + t2 * (0.2 + t2 * 0.14285715))
    return e.astype(jnp.float32) * _LN2 + 2.0 * t * p


def _sc_worker(anchor_hbm, feature_hbm, out_hbm, a_v, f_v, acc_v):
    wid = lax.axis_index("s") * _NUM_CORES + lax.axis_index("c")
    row0 = _TC_ROWS + wid * _ROWS_PER_WORKER
    pltpu.sync_copy(anchor_hbm.at[pl.ds(row0, _ROWS_PER_WORKER), :], a_v)
    pltpu.sync_copy(feature_hbm.at[pl.ds(row0, _ROWS_PER_WORKER), :], f_v)

    tail_mask = jnp.arange(16, dtype=jnp.int32) >= 13

    def term(a, f):
        t = a * (_log16(a) - _log16(f + 1e-16))
        return jnp.where(a == 0.0, 0.0, t)

    def body(r, acc):
        acc = acc + term(a_v[r, pl.ds(0, 16)], f_v[r, pl.ds(0, 16)])
        acc = acc + term(a_v[r, pl.ds(16, 16)], f_v[r, pl.ds(16, 16)])
        acc = acc + term(a_v[r, pl.ds(32, 16)], f_v[r, pl.ds(32, 16)])
        tail = term(a_v[r, pl.ds(35, 16)], f_v[r, pl.ds(35, 16)])
        return acc + jnp.where(tail_mask, tail, 0.0)

    acc = lax.fori_loop(0, _ROWS_PER_WORKER, body,
                        jnp.zeros((16,), jnp.float32))
    acc_v[...] = acc
    pltpu.sync_copy(acc_v, out_hbm.at[pl.ds(wid * 16, 16)])


def _sc_partial(anchor, feature):
    mesh = plsc.VectorSubcoreMesh(core_axis_name="c", subcore_axis_name="s")
    run = pl.kernel(
        _sc_worker,
        mesh=mesh,
        compiler_params=pltpu.CompilerParams(use_tc_tiling_on_sc=True),
        out_type=jax.ShapeDtypeStruct((_NUM_WORKERS * 16,), jnp.float32),
        scratch_types=[
            pltpu.VMEM((_ROWS_PER_WORKER, _ATOMS), jnp.float32),
            pltpu.VMEM((_ROWS_PER_WORKER, _ATOMS), jnp.float32),
            pltpu.VMEM((16,), jnp.float32),
        ],
    )
    return run(anchor, feature)




@functools.partial(jax.jit, static_argnames=())
def kernel(anchor, feature):
    sc_out = _sc_partial(anchor, feature)
    tc_out = _tc_partial(anchor, feature)
    return (tc_out[0, 0] + jnp.sum(sc_out)) / _BATCH

# --- scband reference (transcript-rebuilt; emitter-appended) ---
"""Pipeline reference for scband-klloss-23038204576295 (READ-ONLY COPY).

The authoritative reference and input builder live on the scoring server;
editing this copy changes nothing except your own understanding.
"""

import jax, jax.numpy as jnp
import numpy as np
from jax.scipy.special import xlogy

ATOMS = 51
V_MAX = 10.0
V_MIN = -10.0
DELTA = (V_MAX - V_MIN) / (ATOMS - 1)
BATCH = 16384


def setup_inputs(seed: int = 0) -> dict:
    key = jax.random.key(seed)
    k1, k2 = jax.random.split(key)
    anchor = jax.random.uniform(k1, (BATCH, ATOMS), dtype=jnp.float32)
    feature = jax.random.uniform(k2, (BATCH, ATOMS), dtype=jnp.float32)
    return {"anchor": anchor, "feature": feature}


def reference(anchor, feature):
    batch_size = feature.shape[0]
    skewness = 0.0
    supports = jnp.linspace(V_MIN, V_MAX, ATOMS).astype(jnp.float32)
    # Tz = skew + supports broadcast over batch, clamped to [v_min, v_max]
    Tz = skewness + jnp.broadcast_to(supports[None, :], (batch_size, ATOMS))
    Tz = jnp.clip(Tz, V_MIN, V_MAX)
    b = (Tz - V_MIN) / DELTA
    l = jnp.floor(b).astype(jnp.int32)
    u = jnp.ceil(b).astype(jnp.int32)
    l = jnp.where((u > 0) & (l == u), l - 1, l)
    u = jnp.where((l < ATOMS - 1) & (l == u), u + 1, u)
    offset = (jnp.arange(batch_size, dtype=jnp.int32) * ATOMS)[:, None]
    flat = jnp.zeros(batch_size * ATOMS, dtype=jnp.float32)
    flat = flat.at[(l + offset).reshape(-1)].add((anchor * (u.astype(jnp.float32) - b)).reshape(-1))
    flat = flat.at[(u + offset).reshape(-1)].add((anchor * (b - l.astype(jnp.float32))).reshape(-1))
    skewed_anchor = flat.reshape(batch_size, ATOMS)
    # torch F.kl_div(log_input, target, reduction='batchmean')
    #   = sum(target * (log(target) - log_input)) / batch ; 0*log(0) -> 0
    log_input = jnp.log(feature + 1e-16)
    pointwise = xlogy(skewed_anchor, skewed_anchor) - skewed_anchor * log_input
    loss = jnp.sum(pointwise) / batch_size
    return loss

if __name__ == "__main__":
    import jax
    _d = setup_inputs()
    print(jax.jit(kernel)(*tuple(_d.values())))

</pallas_src>

<mosaic_0001>
#map = affine_map<(d0, d1) -> (0, 0)>
#map1 = affine_map<(d0, d1) -> (0)>
module attributes {stable_mosaic.version = 14 : i64} {
  func.func @_sc_worker(%arg0: i32, %arg1: i32, %arg2: memref<16384x51xf32, #tpu.memory_space<hbm>>, %arg3: memref<16384x51xf32, #tpu.memory_space<hbm>>, %arg4: memref<512xf32, #tpu.memory_space<hbm>>, %arg5: memref<128x51xf32, #tpu.memory_space<vmem>>, %arg6: memref<128x51xf32, #tpu.memory_space<vmem>>, %arg7: memref<16xf32, #tpu.memory_space<vmem>>) attributes {dimension_semantics = [#tpu.dimension_semantics<core_parallel>, #tpu.dimension_semantics<subcore_parallel>], iteration_bounds = array<i64: 2, 16>, scalar_prefetch = 0 : i64, scratch_operands = 3 : i64, tpu.core_type = #tpu.core_type<sc_vector_subcore>, window_params = [{transform_indices = #map}, {transform_indices = #map}, {transform_indices = #map1}]} {
    %mul3A = arith.constant 2 : i32
    %mul3A_0 = arith.muli %arg1, %mul3A : i32
    %add3A = arith.addi %mul3A_0, %arg0 : i32
    %mul3A_1 = arith.constant 128 : i32
    %mul3A_2 = arith.muli %add3A, %mul3A_1 : i32
    %add3A_3 = arith.constant 12288 : i32
    %add3A_4 = arith.addi %add3A_3, %mul3A_2 : i32
    "tpu.region"() ({
      %run_scoped3A = tpu.sem_alloc : memref<!tpu.dma_semaphore, #tpu.memory_space<semaphore_mem>>
      %dma_start3A = arith.constant 0 : i32
      %dma_start3A_18 = tpu.memref_slice %arg2[%add3A_4, %dma_start3A] : memref<16384x51xf32, #tpu.memory_space<hbm>> -> memref<128x51xf32, #tpu.memory_space<hbm>>
      %dma_start3A_19 = arith.constant 0 : i32
      %dma_start3A_20 = tpu.memref_slice %arg2[%add3A_4, %dma_start3A_19] : memref<16384x51xf32, #tpu.memory_space<hbm>> -> memref<128x51xf32, #tpu.memory_space<hbm>>
      tpu.enqueue_dma source(%dma_start3A_20 : memref<128x51xf32, #tpu.memory_space<hbm>>) target(%arg5 : memref<128x51xf32, #tpu.memory_space<vmem>>) target_semaphore(%run_scoped3A : memref<!tpu.dma_semaphore, #tpu.memory_space<semaphore_mem>>)
      %dma_wait3A = arith.constant 0 : i32
      %dma_wait3A_21 = tpu.memref_slice %arg2[%add3A_4, %dma_wait3A] : memref<16384x51xf32, #tpu.memory_space<hbm>> -> memref<128x51xf32, #tpu.memory_space<hbm>>
      %dma_wait3A_22 = arith.constant 0 : i32
      %dma_wait3A_23 = tpu.memref_slice %arg2[%add3A_4, %dma_wait3A_22] : memref<16384x51xf32, #tpu.memory_space<hbm>> -> memref<128x51xf32, #tpu.memory_space<hbm>>
      tpu.wait_dma2 semaphore(%run_scoped3A : memref<!tpu.dma_semaphore, #tpu.memory_space<semaphore_mem>>) src(%dma_wait3A_23 : memref<128x51xf32, #tpu.memory_space<hbm>>) dst(%arg5 : memref<128x51xf32, #tpu.memory_space<vmem>>)
      tpu.yield
    }) : () -> ()
    "tpu.region"() ({
      %run_scoped3A = tpu.sem_alloc : memref<!tpu.dma_semaphore, #tpu.memory_space<semaphore_mem>>
      %dma_start3A = arith.constant 0 : i32
      %dma_start3A_18 = tpu.memref_slice %arg3[%add3A_4, %dma_start3A] : memref<16384x51xf32, #tpu.memory_space<hbm>> -> memref<128x51xf32, #tpu.memory_space<hbm>>
      %dma_start3A_19 = arith.constant 0 : i32
      %dma_start3A_20 = tpu.memref_slice %arg3[%add3A_4, %dma_start3A_19] : memref<16384x51xf32, #tpu.memory_space<hbm>> -> memref<128x51xf32, #tpu.memory_space<hbm>>
      tpu.enqueue_dma source(%dma_start3A_20 : memref<128x51xf32, #tpu.memory_space<hbm>>) target(%arg6 : memref<128x51xf32, #tpu.memory_space<vmem>>) target_semaphore(%run_scoped3A : memref<!tpu.dma_semaphore, #tpu.memory_space<semaphore_mem>>)
      %dma_wait3A = arith.constant 0 : i32
      %dma_wait3A_21 = tpu.memref_slice %arg3[%add3A_4, %dma_wait3A] : memref<16384x51xf32, #tpu.memory_space<hbm>> -> memref<128x51xf32, #tpu.memory_space<hbm>>
      %dma_wait3A_22 = arith.constant 0 : i32
      %dma_wait3A_23 = tpu.memref_slice %arg3[%add3A_4, %dma_wait3A_22] : memref<16384x51xf32, #tpu.memory_space<hbm>> -> memref<128x51xf32, #tpu.memory_space<hbm>>
      tpu.wait_dma2 semaphore(%run_scoped3A : memref<!tpu.dma_semaphore, #tpu.memory_space<semaphore_mem>>) src(%dma_wait3A_23 : memref<128x51xf32, #tpu.memory_space<hbm>>) dst(%arg6 : memref<128x51xf32, #tpu.memory_space<vmem>>)
      tpu.yield
    }) : () -> ()
    %iota3A = tpu.iota {dimensions = array<i32: 0>} : vector<16xi32>
    %ge3A = arith.constant 13 : i32
    %ge3A_5 = vector.broadcast %ge3A : i32 to vector<16xi32>
    %ge3A_6 = arith.cmpi sge, %iota3A, %ge3A_5 : vector<16xi32>
    %broadcast_in_dim3A = arith.constant 0.000000e+00 : f32
    %broadcast_in_dim3A_7 = vector.broadcast %broadcast_in_dim3A : f32 to vector<16xf32>
    %scan3A = arith.constant 0 : i32
    %scan3A_8 = arith.constant 128 : i32
    %scan3A_9 = arith.addi %scan3A, %scan3A_8 : i32
    %scan3A_10 = arith.constant 1 : i32
    %scan3A_11 = scf.for %scan3A_18 = %scan3A to %scan3A_9 step %scan3A_10 iter_args(%scan3A_19 = %broadcast_in_dim3A_7) -> (vector<16xf32>)  : i32 {
      %get3A = arith.index_cast %scan3A_18 : i32 to index
      %get3A_20 = arith.constant 0 : index
      %get3A_21 = tpu.vector_load %arg5[%get3A, %get3A_20] {strides = array<i32>} : memref<128x51xf32, #tpu.memory_space<vmem>>, vector<1x16xf32>,
      %get3A_22 = vector.shape_cast %get3A_21 : vector<1x16xf32> to vector<16xf32>
      %get3A_23 = arith.index_cast %scan3A_18 : i32 to index
      %get3A_24 = arith.constant 0 : index
      %get3A_25 = tpu.vector_load %arg6[%get3A_23, %get3A_24] {strides = array<i32>} : memref<128x51xf32, #tpu.memory_space<vmem>>, vector<1x16xf32>,
      %get3A_26 = vector.shape_cast %get3A_25 : vector<1x16xf32> to vector<16xf32>
      %bitcast_convert_type3A = tpu.bitcast %get3A_22 : vector<16xf32> -> vector<16xi32>
      %shift_right_arithmetic3A = arith.constant 23 : i32
      %shift_right_arithmetic3A_27 = vector.broadcast %shift_right_arithmetic3A : i32 to vector<16xi32>
      %shift_right_arithmetic3A_28 = arith.shrsi %bitcast_convert_type3A, %shift_right_arithmetic3A_27 : vector<16xi32>
      %and3A = arith.constant 255 : i32
      %and3A_29 = vector.broadcast %and3A : i32 to vector<16xi32>
      %and3A_30 = arith.andi %shift_right_arithmetic3A_28, %and3A_29 : vector<16xi32>
      %sub3A = arith.constant 127 : i32
      %sub3A_31 = vector.broadcast %sub3A : i32 to vector<16xi32>
      %sub3A_32 = arith.subi %and3A_30, %sub3A_31 : vector<16xi32>
      %and3A_33 = arith.constant 8388607 : i32
      %and3A_34 = vector.broadcast %and3A_33 : i32 to vector<16xi32>
      %and3A_35 = arith.andi %bitcast_convert_type3A, %and3A_34 : vector<16xi32>
      %or3A = arith.constant 1065353216 : i32
      %or3A_36 = vector.broadcast %or3A : i32 to vector<16xi32>
      %or3A_37 = arith.ori %and3A_35, %or3A_36 : vector<16xi32>
      %bitcast_convert_type3A_38 = tpu.bitcast %or3A_37 : vector<16xi32> -> vector<16xf32>
      %gt3A = arith.constant 1.41421354 : f32
      %gt3A_39 = vector.broadcast %gt3A : f32 to vector<16xf32>
      %gt3A_40 = arith.cmpf ogt, %bitcast_convert_type3A_38, %gt3A_39 : vector<16xf32>
      %mul3A_41 = arith.constant 5.000000e-01 : f32
      %mul3A_42 = vector.broadcast %mul3A_41 : f32 to vector<16xf32>
      %mul3A_43 = arith.mulf %bitcast_convert_type3A_38, %mul3A_42 : vector<16xf32>
      %select_n3A = arith.select %gt3A_40, %mul3A_43, %bitcast_convert_type3A_38 : vector<16xi1>, vector<16xf32>
      %add3A_44 = arith.constant 1 : i32
      %add3A_45 = vector.broadcast %add3A_44 : i32 to vector<16xi32>
      %add3A_46 = arith.addi %sub3A_32, %add3A_45 : vector<16xi32>
      %select_n3A_47 = arith.select %gt3A_40, %add3A_46, %sub3A_32 : vector<16xi1>, vector<16xi32>
      %sub3A_48 = arith.constant 1.000000e+00 : f32
      %sub3A_49 = vector.broadcast %sub3A_48 : f32 to vector<16xf32>
      %sub3A_50 = arith.subf %select_n3A, %sub3A_49 : vector<16xf32>
      %add3A_51 = arith.constant 1.000000e+00 : f32
      %add3A_52 = vector.broadcast %add3A_51 : f32 to vector<16xf32>
      %add3A_53 = arith.addf %select_n3A, %add3A_52 : vector<16xf32>
      %div3A = arith.divf %sub3A_50, %add3A_53 : vector<16xf32>
      %mul3A_54 = arith.mulf %div3A, %div3A : vector<16xf32>
      %mul3A_55 = arith.constant 0.142857149 : f32
      %mul3A_56 = vector.broadcast %mul3A_55 : f32 to vector<16xf32>
      %mul3A_57 = arith.mulf %mul3A_54, %mul3A_56 : vector<16xf32>
      %add3A_58 = arith.constant 2.000000e-01 : f32
      %add3A_59 = vector.broadcast %add3A_58 : f32 to vector<16xf32>
      %add3A_60 = arith.addf %add3A_59, %mul3A_57 : vector<16xf32>
      %mul3A_61 = arith.mulf %mul3A_54, %add3A_60 : vector<16xf32>
      %add3A_62 = arith.constant 0.333333343 : f32
      %add3A_63 = vector.broadcast %add3A_62 : f32 to vector<16xf32>
      %add3A_64 = arith.addf %add3A_63, %mul3A_61 : vector<16xf32>
      %mul3A_65 = arith.mulf %mul3A_54, %add3A_64 : vector<16xf32>
      %add3A_66 = arith.constant 1.000000e+00 : f32
      %add3A_67 = vector.broadcast %add3A_66 : f32 to vector<16xf32>
      %add3A_68 = arith.addf %add3A_67, %mul3A_65 : vector<16xf32>
      %convert_element_type3A = arith.sitofp %select_n3A_47 : vector<16xi32> to vector<16xf32>
      %mul3A_69 = arith.constant 0.693147182 : f32
      %mul3A_70 = vector.broadcast %mul3A_69 : f32 to vector<16xf32>
      %mul3A_71 = arith.mulf %convert_element_type3A, %mul3A_70 : vector<16xf32>
      %mul3A_72 = arith.constant 2.000000e+00 : f32
      %mul3A_73 = vector.broadcast %mul3A_72 : f32 to vector<16xf32>
      %mul3A_74 = arith.mulf %mul3A_73, %div3A : vector<16xf32>
      %mul3A_75 = arith.mulf %mul3A_74, %add3A_68 : vector<16xf32>
      %add3A_76 = arith.addf %mul3A_71, %mul3A_75 : vector<16xf32>
      %add3A_77 = arith.constant 1.000000e-16 : f32
      %add3A_78 = vector.broadcast %add3A_77 : f32 to vector<16xf32>
      %add3A_79 = arith.addf %get3A_26, %add3A_78 : vector<16xf32>
      %bitcast_convert_type3A_80 = tpu.bitcast %add3A_79 : vector<16xf32> -> vector<16xi32>
      %shift_right_arithmetic3A_81 = arith.constant 23 : i32
      %shift_right_arithmetic3A_82 = vector.broadcast %shift_right_arithmetic3A_81 : i32 to vector<16xi32>
      %shift_right_arithmetic3A_83 = arith.shrsi %bitcast_convert_type3A_80, %shift_right_arithmetic3A_82 : vector<16xi32>
      %and3A_84 = arith.constant 255 : i32
      %and3A_85 = vector.broadcast %and3A_84 : i32 to vector<16xi32>
      %and3A_86 = arith.andi %shift_right_arithmetic3A_83, %and3A_85 : vector<16xi32>
      %sub3A_87 = arith.constant 127 : i32
      %sub3A_88 = vector.broadcast %sub3A_87 : i32 to vector<16xi32>
      %sub3A_89 = arith.subi %and3A_86, %sub3A_88 : vector<16xi32>
      %and3A_90 = arith.constant 8388607 : i32
      %and3A_91 = vector.broadcast %and3A_90 : i32 to vector<16xi32>
      %and3A_92 = arith.andi %bitcast_convert_type3A_80, %and3A_91 : vector<16xi32>
      %or3A_93 = arith.constant 1065353216 : i32
      %or3A_94 = vector.broadcast %or3A_93 : i32 to vector<16xi32>
      %or3A_95 = arith.ori %and3A_92, %or3A_94 : vector<16xi32>
      %bitcast_convert_type3A_96 = tpu.bitcast %or3A_95 : vector<16xi32> -> vector<16xf32>
      %gt3A_97 = arith.constant 1.41421354 : f32
      %gt3A_98 = vector.broadcast %gt3A_97 : f32 to vector<16xf32>
      %gt3A_99 = arith.cmpf ogt, %bitcast_convert_type3A_96, %gt3A_98 : vector<16xf32>
      %mul3A_100 = arith.constant 5.000000e-01 : f32
      %mul3A_101 = vector.broadcast %mul3A_100 : f32 to vector<16xf32>
      %mul3A_102 = arith.mulf %bitcast_convert_type3A_96, %mul3A_101 : vector<16xf32>
      %select_n3A_103 = arith.select %gt3A_99, %mul3A_102, %bitcast_convert_type3A_96 : vector<16xi1>, vector<16xf32>
      %add3A_104 = arith.constant 1 : i32
      %add3A_105 = vector.broadcast %add3A_104 : i32 to vector<16xi32>
      %add3A_106 = arith.addi %sub3A_89, %add3A_105 : vector<16xi32>
      %select_n3A_107 = arith.select %gt3A_99, %add3A_106, %sub3A_89 : vector<16xi1>, vector<16xi32>
      %sub3A_108 = arith.constant 1.000000e+00 : f32
      %sub3A_109 = vector.broadcast %sub3A_108 : f32 to vector<16xf32>
      %sub3A_110 = arith.subf %select_n3A_103, %sub3A_109 : vector<16xf32>
      %add3A_111 = arith.constant 1.000000e+00 : f32
      %add3A_112 = vector.broadcast %add3A_111 : f32 to vector<16xf32>
      %add3A_113 = arith.addf %select_n3A_103, %add3A_112 : vector<16xf32>
      %div3A_114 = arith.divf %sub3A_110, %add3A_113 : vector<16xf32>
      %mul3A_115 = arith.mulf %div3A_114, %div3A_114 : vector<16xf32>
      %mul3A_116 = arith.constant 0.142857149 : f32
      %mul3A_117 = vector.broadcast %mul3A_116 : f32 to vector<16xf32>
      %mul3A_118 = arith.mulf %mul3A_115, %mul3A_117 : vector<16xf32>
      %add3A_119 = arith.constant 2.000000e-01 : f32
      %add3A_120 = vector.broadcast %add3A_119 : f32 to vector<16xf32>
      %add3A_121 = arith.addf %add3A_120, %mul3A_118 : vector<16xf32>
      %mul3A_122 = arith.mulf %mul3A_115, %add3A_121 : vector<16xf32>
      %add3A_123 = arith.constant 0.333333343 : f32
      %add3A_124 = vector.broadcast %add3A_123 : f32 to vector<16xf32>
      %add3A_125 = arith.addf %add3A_124, %mul3A_122 : vector<16xf32>
      %mul3A_126 = arith.mulf %mul3A_115, %add3A_125 : vector<16xf32>
      %add3A_127 = arith.constant 1.000000e+00 : f32
      %add3A_128 = vector.broadcast %add3A_127 : f32 to vector<16xf32>
      %add3A_129 = arith.addf %add3A_128, %mul3A_126 : vector<16xf32>
      %convert_element_type3A_130 = arith.sitofp %select_n3A_107 : vector<16xi32> to vector<16xf32>
      %mul3A_131 = arith.constant 0.693147182 : f32
      %mul3A_132 = vector.broadcast %mul3A_131 : f32 to vector<16xf32>
      %mul3A_133 = arith.mulf %convert_element_type3A_130, %mul3A_132 : vector<16xf32>
      %mul3A_134 = arith.constant 2.000000e+00 : f32
      %mul3A_135 = vector.broadcast %mul3A_134 : f32 to vector<16xf32>
      %mul3A_136 = arith.mulf %mul3A_135, %div3A_114 : vector<16xf32>
      %mul3A_137 = arith.mulf %mul3A_136, %add3A_129 : vector<16xf32>
      %add3A_138 = arith.addf %mul3A_133, %mul3A_137 : vector<16xf32>
      %sub3A_139 = arith.subf %add3A_76, %add3A_138 : vector<16xf32>
      %mul3A_140 = arith.mulf %get3A_22, %sub3A_139 : vector<16xf32>
      %eq3A = arith.constant 0.000000e+00 : f32
      %eq3A_141 = vector.broadcast %eq3A : f32 to vector<16xf32>
      %eq3A_142 = arith.cmpf oeq, %get3A_22, %eq3A_141 : vector<16xf32>
      %jit3A = arith.constant 0.000000e+00 : f32
      %broadcast_in_dim3A_143 = vector.broadcast %jit3A : f32 to vector<16xf32>
      %select_n3A_144 = arith.select %eq3A_142, %broadcast_in_dim3A_143, %mul3A_140 : vector<16xi1>, vector<16xf32>
      %add3A_145 = arith.addf %scan3A_19, %select_n3A_144 : vector<16xf32>
      %get3A_146 = arith.index_cast %scan3A_18 : i32 to index
      %get3A_147 = arith.constant 16 : index
      %get3A_148 = tpu.vector_load %arg5[%get3A_146, %get3A_147] {strides = array<i32>} : memref<128x51xf32, #tpu.memory_space<vmem>>, vector<1x16xf32>,
      %get3A_149 = vector.shape_cast %get3A_148 : vector<1x16xf32> to vector<16xf32>
      %get3A_150 = arith.index_cast %scan3A_18 : i32 to index
      %get3A_151 = arith.constant 16 : index
      %get3A_152 = tpu.vector_load %arg6[%get3A_150, %get3A_151] {strides = array<i32>} : memref<128x51xf32, #tpu.memory_space<vmem>>, vector<1x16xf32>,
      %get3A_153 = vector.shape_cast %get3A_152 : vector<1x16xf32> to vector<16xf32>
      %bitcast_convert_type3A_154 = tpu.bitcast %get3A_149 : vector<16xf32> -> vector<16xi32>
      %shift_right_arithmetic3A_155 = arith.constant 23 : i32
      %shift_right_arithmetic3A_156 = vector.broadcast %shift_right_arithmetic3A_155 : i32 to vector<16xi32>
      %shift_right_arithmetic3A_157 = arith.shrsi %bitcast_convert_type3A_154, %shift_right_arithmetic3A_156 : vector<16xi32>
      %and3A_158 = arith.constant 255 : i32
      %and3A_159 = vector.broadcast %and3A_158 : i32 to vector<16xi32>
      %and3A_160 = arith.andi %shift_right_arithmetic3A_157, %and3A_159 : vector<16xi32>
      %sub3A_161 = arith.constant 127 : i32
      %sub3A_162 = vector.broadcast %sub3A_161 : i32 to vector<16xi32>
      %sub3A_163 = arith.subi %and3A_160, %sub3A_162 : vector<16xi32>
      %and3A_164 = arith.constant 8388607 : i32
      %and3A_165 = vector.broadcast %and3A_164 : i32 to vector<16xi32>
      %and3A_166 = arith.andi %bitcast_convert_type3A_154, %and3A_165 : vector<16xi32>
      %or3A_167 = arith.constant 1065353216 : i32
      %or3A_168 = vector.broadcast %or3A_167 : i32 to vector<16xi32>
      %or3A_169 = arith.ori %and3A_166, %or3A_168 : vector<16xi32>
      %bitcast_convert_type3A_170 = tpu.bitcast %or3A_169 : vector<16xi32> -> vector<16xf32>
      %gt3A_171 = arith.constant 1.41421354 : f32
      %gt3A_172 = vector.broadcast %gt3A_171 : f32 to vector<16xf32>
      %gt3A_173 = arith.cmpf ogt, %bitcast_convert_type3A_170, %gt3A_172 : vector<16xf32>
      %mul3A_174 = arith.constant 5.000000e-01 : f32
      %mul3A_175 = vector.broadcast %mul3A_174 : f32 to vector<16xf32>
      %mul3A_176 = arith.mulf %bitcast_convert_type3A_170, %mul3A_175 : vector<16xf32>
      %select_n3A_177 = arith.select %gt3A_173, %mul3A_176, %bitcast_convert_type3A_170 : vector<16xi1>, vector<16xf32>
      %add3A_178 = arith.constant 1 : i32
      %add3A_179 = vector.broadcast %add3A_178 : i32 to vector<16xi32>
      %add3A_180 = arith.addi %sub3A_163, %add3A_179 : vector<16xi32>
      %select_n3A_181 = arith.select %gt3A_173, %add3A_180, %sub3A_163 : vector<16xi1>, vector<16xi32>
      %sub3A_182 = arith.constant 1.000000e+00 : f32
      %sub3A_183 = vector.broadcast %sub3A_182 : f32 to vector<16xf32>
      %sub3A_184 = arith.subf %select_n3A_177, %sub3A_183 : vector<16xf32>
      %add3A_185 = arith.constant 1.000000e+00 : f32
      %add3A_186 = vector.broadcast %add3A_185 : f32 to vector<16xf32>
      %add3A_187 = arith.addf %select_n3A_177, %add3A_186 : vector<16xf32>
      %div3A_188 = arith.divf %sub3A_184, %add3A_187 : vector<16xf32>
      %mul3A_189 = arith.mulf %div3A_188, %div3A_188 : vector<16xf32>
      %mul3A_190 = arith.constant 0.142857149 : f32
      %mul3A_191 = vector.broadcast %mul3A_190 : f32 to vector<16xf32>
      %mul3A_192 = arith.mulf %mul3A_189, %mul3A_191 : vector<16xf32>
      %add3A_193 = arith.constant 2.000000e-01 : f32
      %add3A_194 = vector.broadcast %add3A_193 : f32 to vector<16xf32>
      %add3A_195 = arith.addf %add3A_194, %mul3A_192 : vector<16xf32>
      %mul3A_196 = arith.mulf %mul3A_189, %add3A_195 : vector<16xf32>
      %add3A_197 = arith.constant 0.333333343 : f32
      %add3A_198 = vector.broadcast %add3A_197 : f32 to vector<16xf32>
      %add3A_199 = arith.addf %add3A_198, %mul3A_196 : vector<16xf32>
      %mul3A_200 = arith.mulf %mul3A_189, %add3A_199 : vector<16xf32>
      %add3A_201 = arith.constant 1.000000e+00 : f32
      %add3A_202 = vector.broadcast %add3A_201 : f32 to vector<16xf32>
      %add3A_203 = arith.addf %add3A_202, %mul3A_200 : vector<16xf32>
      %convert_element_type3A_204 = arith.sitofp %select_n3A_181 : vector<16xi32> to vector<16xf32>
      %mul3A_205 = arith.constant 0.693147182 : f32
      %mul3A_206 = vector.broadcast %mul3A_205 : f32 to vector<16xf32>
      %mul3A_207 = arith.mulf %convert_element_type3A_204, %mul3A_206 : vector<16xf32>
      %mul3A_208 = arith.constant 2.000000e+00 : f32
      %mul3A_209 = vector.broadcast %mul3A_208 : f32 to vector<16xf32>
      %mul3A_210 = arith.mulf %mul3A_209, %div3A_188 : vector<16xf32>
      %mul3A_211 = arith.mulf %mul3A_210, %add3A_203 : vector<16xf32>
      %add3A_212 = arith.addf %mul3A_207, %mul3A_211 : vector<16xf32>
      %add3A_213 = arith.constant 1.000000e-16 : f32
      %add3A_214 = vector.broadcast %add3A_213 : f32 to vector<16xf32>
      %add3A_215 = arith.addf %get3A_153, %add3A_214 : vector<16xf32>
      %bitcast_convert_type3A_216 = tpu.bitcast %add3A_215 : vector<16xf32> -> vector<16xi32>
      %shift_right_arithmetic3A_217 = arith.constant 23 : i32
      %shift_right_arithmetic3A_218 = vector.broadcast %shift_right_arithmetic3A_217 : i32 to vector<16xi32>
      %shift_right_arithmetic3A_219 = arith.shrsi %bitcast_convert_type3A_216, %shift_right_arithmetic3A_218 : vector<16xi32>
      %and3A_220 = arith.constant 255 : i32
      %and3A_221 = vector.broadcast %and3A_220 : i32 to vector<16xi32>
      %and3A_222 = arith.andi %shift_right_arithmetic3A_219, %and3A_221 : vector<16xi32>
      %sub3A_223 = arith.constant 127 : i32
      %sub3A_224 = vector.broadcast %sub3A_223 : i32 to vector<16xi32>
      %sub3A_225 = arith.subi %and3A_222, %sub3A_224 : vector<16xi32>
      %and3A_226 = arith.constant 8388607 : i32
      %and3A_227 = vector.broadcast %and3A_226 : i32 to vector<16xi32>
      %and3A_228 = arith.andi %bitcast_convert_type3A_216, %and3A_227 : vector<16xi32>
      %or3A_229 = arith.constant 1065353216 : i32
      %or3A_230 = vector.broadcast %or3A_229 : i32 to vector<16xi32>
      %or3A_231 = arith.ori %and3A_228, %or3A_230 : vector<16xi32>
      %bitcast_convert_type3A_232 = tpu.bitcast %or3A_231 : vector<16xi32> -> vector<16xf32>
      %gt3A_233 = arith.constant 1.41421354 : f32
      %gt3A_234 = vector.broadcast %gt3A_233 : f32 to vector<16xf32>
      %gt3A_235 = arith.cmpf ogt, %bitcast_convert_type3A_232, %gt3A_234 : vector<16xf32>
      %mul3A_236 = arith.constant 5.000000e-01 : f32
      %mul3A_237 = vector.broadcast %mul3A_236 : f32 to vector<16xf32>
      %mul3A_238 = arith.mulf %bitcast_convert_type3A_232, %mul3A_237 : vector<16xf32>
      %select_n3A_239 = arith.select %gt3A_235, %mul3A_238, %bitcast_convert_type3A_232 : vector<16xi1>, vector<16xf32>
      %add3A_240 = arith.constant 1 : i32
      %add3A_241 = vector.broadcast %add3A_240 : i32 to vector<16xi32>
      %add3A_242 = arith.addi %sub3A_225, %add3A_241 : vector<16xi32>
      %select_n3A_243 = arith.select %gt3A_235, %add3A_242, %sub3A_225 : vector<16xi1>, vector<16xi32>
      %sub3A_244 = arith.constant 1.000000e+00 : f32
      %sub3A_245 = vector.broadcast %sub3A_244 : f32 to vector<16xf32>
      %sub3A_246 = arith.subf %select_n3A_239, %sub3A_245 : vector<16xf32>
      %add3A_247 = arith.constant 1.000000e+00 : f32
      %add3A_248 = vector.broadcast %add3A_247 : f32 to vector<16xf32>
      %add3A_249 = arith.addf %select_n3A_239, %add3A_248 : vector<16xf32>
      %div3A_250 = arith.divf %sub3A_246, %add3A_249 : vector<16xf32>
      %mul3A_251 = arith.mulf %div3A_250, %div3A_250 : vector<16xf32>
      %mul3A_252 = arith.constant 0.142857149 : f32
      %mul3A_253 = vector.broadcast %mul3A_252 : f32 to vector<16xf32>
      %mul3A_254 = arith.mulf %mul3A_251, %mul3A_253 : vector<16xf32>
      %add3A_255 = arith.constant 2.000000e-01 : f32
      %add3A_256 = vector.broadcast %add3A_255 : f32 to vector<16xf32>
      %add3A_257 = arith.addf %add3A_256, %mul3A_254 : vector<16xf32>
      %mul3A_258 = arith.mulf %mul3A_251, %add3A_257 : vector<16xf32>
      %add3A_259 = arith.constant 0.333333343 : f32
      %add3A_260 = vector.broadcast %add3A_259 : f32 to vector<16xf32>
      %add3A_261 = arith.addf %add3A_260, %mul3A_258 : vector<16xf32>
      %mul3A_262 = arith.mulf %mul3A_251, %add3A_261 : vector<16xf32>
      %add3A_263 = arith.constant 1.000000e+00 : f32
      %add3A_264 = vector.broadcast %add3A_263 : f32 to vector<16xf32>
      %add3A_265 = arith.addf %add3A_264, %mul3A_262 : vector<16xf32>
      %convert_element_type3A_266 = arith.sitofp %select_n3A_243 : vector<16xi32> to vector<16xf32>
      %mul3A_267 = arith.constant 0.693147182 : f32
      %mul3A_268 = vector.broadcast %mul3A_267 : f32 to vector<16xf32>
      %mul3A_269 = arith.mulf %convert_element_type3A_266, %mul3A_268 : vector<16xf32>
      %mul3A_270 = arith.constant 2.000000e+00 : f32
      %mul3A_271 = vector.broadcast %mul3A_270 : f32 to vector<16xf32>
      %mul3A_272 = arith.mulf %mul3A_271, %div3A_250 : vector<16xf32>
      %mul3A_273 = arith.mulf %mul3A_272, %add3A_265 : vector<16xf32>
      %add3A_274 = arith.addf %mul3A_269, %mul3A_273 : vector<16xf32>
      %sub3A_275 = arith.subf %add3A_212, %add3A_274 : vector<16xf32>
      %mul3A_276 = arith.mulf %get3A_149, %sub3A_275 : vector<16xf32>
      %eq3A_277 = arith.constant 0.000000e+00 : f32
      %eq3A_278 = vector.broadcast %eq3A_277 : f32 to vector<16xf32>
      %eq3A_279 = arith.cmpf oeq, %get3A_149, %eq3A_278 : vector<16xf32>
      %jit3A_280 = arith.constant 0.000000e+00 : f32
      %broadcast_in_dim3A_281 = vector.broadcast %jit3A_280 : f32 to vector<16xf32>
      %select_n3A_282 = arith.select %eq3A_279, %broadcast_in_dim3A_281, %mul3A_276 : vector<16xi1>, vector<16xf32>
      %add3A_283 = arith.addf %add3A_145, %select_n3A_282 : vector<16xf32>
      %get3A_284 = arith.index_cast %scan3A_18 : i32 to index
      %get3A_285 = arith.constant 32 : index
      %get3A_286 = tpu.vector_load %arg5[%get3A_284, %get3A_285] {strides = array<i32>} : memref<128x51xf32, #tpu.memory_space<vmem>>, vector<1x16xf32>,
      %get3A_287 = vector.shape_cast %get3A_286 : vector<1x16xf32> to vector<16xf32>
      %get3A_288 = arith.index_cast %scan3A_18 : i32 to index
      %get3A_289 = arith.constant 32 : index
      %get3A_290 = tpu.vector_load %arg6[%get3A_288, %get3A_289] {strides = array<i32>} : memref<128x51xf32, #tpu.memory_space<vmem>>, vector<1x16xf32>,
      %get3A_291 = vector.shape_cast %get3A_290 : vector<1x16xf32> to vector<16xf32>
      %bitcast_convert_type3A_292 = tpu.bitcast %get3A_287 : vector<16xf32> -> vector<16xi32>
      %shift_right_arithmetic3A_293 = arith.constant 23 : i32
      %shift_right_arithmetic3A_294 = vector.broadcast %shift_right_arithmetic3A_293 : i32 to vector<16xi32>
      %shift_right_arithmetic3A_295 = arith.shrsi %bitcast_convert_type3A_292, %shift_right_arithmetic3A_294 : vector<16xi32>
      %and3A_296 = arith.constant 255 : i32
      %and3A_297 = vector.broadcast %and3A_296 : i32 to vector<16xi32>
      %and3A_298 = arith.andi %shift_right_arithmetic3A_295, %and3A_297 : vector<16xi32>
      %sub3A_299 = arith.constant 127 : i32
      %sub3A_300 = vector.broadcast %sub3A_299 : i32 to vector<16xi32>
      %sub3A_301 = arith.subi %and3A_298, %sub3A_300 : vector<16xi32>
      %and3A_302 = arith.constant 8388607 : i32
      %and3A_303 = vector.broadcast %and3A_302 : i32 to vector<16xi32>
      %and3A_304 = arith.andi %bitcast_convert_type3A_292, %and3A_303 : vector<16xi32>
      %or3A_305 = arith.constant 1065353216 : i32
      %or3A_306 = vector.broadcast %or3A_305 : i32 to vector<16xi32>
      %or3A_307 = arith.ori %and3A_304, %or3A_306 : vector<16xi32>
      %bitcast_convert_type3A_308 = tpu.bitcast %or3A_307 : vector<16xi32> -> vector<16xf32>
      %gt3A_309 = arith.constant 1.41421354 : f32
      %gt3A_310 = vector.broadcast %gt3A_309 : f32 to vector<16xf32>
      %gt3A_311 = arith.cmpf ogt, %bitcast_convert_type3A_308, %gt3A_310 : vector<16xf32>
      %mul3A_312 = arith.constant 5.000000e-01 : f32
      %mul3A_313 = vector.broadcast %mul3A_312 : f32 to vector<16xf32>
      %mul3A_314 = arith.mulf %bitcast_convert_type3A_308, %mul3A_313 : vector<16xf32>
      %select_n3A_315 = arith.select %gt3A_311, %mul3A_314, %bitcast_convert_type3A_308 : vector<16xi1>, vector<16xf32>
      %add3A_316 = arith.constant 1 : i32
      %add3A_317 = vector.broadcast %add3A_316 : i32 to vector<16xi32>
      %add3A_318 = arith.addi %sub3A_301, %add3A_317 : vector<16xi32>
      %select_n3A_319 = arith.select %gt3A_311, %add3A_318, %sub3A_301 : vector<16xi1>, vector<16xi32>
      %sub3A_320 = arith.constant 1.000000e+00 : f32
      %sub3A_321 = vector.broadcast %sub3A_320 : f32 to vector<16xf32>
      %sub3A_322 = arith.subf %select_n3A_315, %sub3A_321 : vector<16xf32>
      %add3A_323 = arith.constant 1.000000e+00 : f32
      %add3A_324 = vector.broadcast %add3A_323 : f32 to vector<16xf32>
      %add3A_325 = arith.addf %select_n3A_315, %add3A_324 : vector<16xf32>
      %div3A_326 = arith.divf %sub3A_322, %add3A_325 : vector<16xf32>
      %mul3A_327 = arith.mulf %div3A_326, %div3A_326 : vector<16xf32>
      %mul3A_328 = arith.constant 0.142857149 : f32
      %mul3A_329 = vector.broadcast %mul3A_328 : f32 to vector<16xf32>
      %mul3A_330 = arith.mulf %mul3A_327, %mul3A_329 : vector<16xf32>
      %add3A_331 = arith.constant 2.000000e-01 : f32
      %add3A_332 = vector.broadcast %add3A_331 : f32 to vector<16xf32>
      %add3A_333 = arith.addf %add3A_332, %mul3A_330 : vector<16xf32>
      %mul3A_334 = arith.mulf %mul3A_327, %add3A_333 : vector<16xf32>
      %add3A_335 = arith.constant 0.333333343 : f32
      %add3A_336 = vector.broadcast %add3A_335 : f32 to vector<16xf32>
      %add3A_337 = arith.addf %add3A_336, %mul3A_334 : vector<16xf32>
      %mul3A_338 = arith.mulf %mul3A_327, %add3A_337 : vector<16xf32>
      %add3A_339 = arith.constant 1.000000e+00 : f32
      %add3A_340 = vector.broadcast %add3A_339 : f32 to vector<16xf32>
      %add3A_341 = arith.addf %add3A_340, %mul3A_338 : vector<16xf32>
      %convert_element_type3A_342 = arith.sitofp %select_n3A_319 : vector<16xi32> to vector<16xf32>
      %mul3A_343 = arith.constant 0.693147182 : f32
      %mul3A_344 = vector.broadcast %mul3A_343 : f32 to vector<16xf32>
      %mul3A_345 = arith.mulf %convert_element_type3A_342, %mul3A_344 : vector<16xf32>
      %mul3A_346 = arith.constant 2.000000e+00 : f32
      %mul3A_347 = vector.broadcast %mul3A_346 : f32 to vector<16xf32>
      %mul3A_348 = arith.mulf %mul3A_347, %div3A_326 : vector<16xf32>
      %mul3A_349 = arith.mulf %mul3A_348, %add3A_341 : vector<16xf32>
      %add3A_350 = arith.addf %mul3A_345, %mul3A_349 : vector<16xf32>
      %add3A_351 = arith.constant 1.000000e-16 : f32
      %add3A_352 = vector.broadcast %add3A_351 : f32 to vector<16xf32>
      %add3A_353 = arith.addf %get3A_291, %add3A_352 : vector<16xf32>
      %bitcast_convert_type3A_354 = tpu.bitcast %add3A_353 : vector<16xf32> -> vector<16xi32>
      %shift_right_arithmetic3A_355 = arith.constant 23 : i32
      %shift_right_arithmetic3A_356 = vector.broadcast %shift_right_arithmetic3A_355 : i32 to vector<16xi32>
      %shift_right_arithmetic3A_357 = arith.shrsi %bitcast_convert_type3A_354, %shift_right_arithmetic3A_356 : vector<16xi32>
      %and3A_358 = arith.constant 255 : i32
      %and3A_359 = vector.broadcast %and3A_358 : i32 to vector<16xi32>
      %and3A_360 = arith.andi %shift_right_arithmetic3A_357, %and3A_359 : vector<16xi32>
      %sub3A_361 = arith.constant 127 : i32
      %sub3A_362 = vector.broadcast %sub3A_361 : i32 to vector<16xi32>
      %sub3A_363 = arith.subi %and3A_360, %sub3A_362 : vector<16xi32>
      %and3A_364 = arith.constant 8388607 : i32
      %and3A_365 = vector.broadcast %and3A_364 : i32 to vector<16xi32>
      %and3A_366 = arith.andi %bitcast_convert_type3A_354, %and3A_365 : vector<16xi32>
      %or3A_367 = arith.constant 1065353216 : i32
      %or3A_368 = vector.broadcast %or3A_367 : i32 to vector<16xi32>
      %or3A_369 = arith.ori %and3A_366, %or3A_368 : vector<16xi32>
      %bitcast_convert_type3A_370 = tpu.bitcast %or3A_369 : vector<16xi32> -> vector<16xf32>
      %gt3A_371 = arith.constant 1.41421354 : f32
      %gt3A_372 = vector.broadcast %gt3A_371 : f32 to vector<16xf32>
      %gt3A_373 = arith.cmpf ogt, %bitcast_convert_type3A_370, %gt3A_372 : vector<16xf32>
      %mul3A_374 = arith.constant 5.000000e-01 : f32
      %mul3A_375 = vector.broadcast %mul3A_374 : f32 to vector<16xf32>
      %mul3A_376 = arith.mulf %bitcast_convert_type3A_370, %mul3A_375 : vector<16xf32>
      %select_n3A_377 = arith.select %gt3A_373, %mul3A_376, %bitcast_convert_type3A_370 : vector<16xi1>, vector<16xf32>
      %add3A_378 = arith.constant 1 : i32
      %add3A_379 = vector.broadcast %add3A_378 : i32 to vector<16xi32>
      %add3A_380 = arith.addi %sub3A_363, %add3A_379 : vector<16xi32>
      %select_n3A_381 = arith.select %gt3A_373, %add3A_380, %sub3A_363 : vector<16xi1>, vector<16xi32>
      %sub3A_382 = arith.constant 1.000000e+00 : f32
      %sub3A_383 = vector.broadcast %sub3A_382 : f32 to vector<16xf32>
      %sub3A_384 = arith.subf %select_n3A_377, %sub3A_383 : vector<16xf32>
      %add3A_385 = arith.constant 1.000000e+00 : f32
      %add3A_386 = vector.broadcast %add3A_385 : f32 to vector<16xf32>
      %add3A_387 = arith.addf %select_n3A_377, %add3A_386 : vector<16xf32>
      %div3A_388 = arith.divf %sub3A_384, %add3A_387 : vector<16xf32>
      %mul3A_389 = arith.mulf %div3A_388, %div3A_388 : vector<16xf32>
      %mul3A_390 = arith.constant 0.142857149 : f32
      %mul3A_391 = vector.broadcast %mul3A_390 : f32 to vector<16xf32>
      %mul3A_392 = arith.mulf %mul3A_389, %mul3A_391 : vector<16xf32>
      %add3A_393 = arith.constant 2.000000e-01 : f32
      %add3A_394 = vector.broadcast %add3A_393 : f32 to vector<16xf32>
      %add3A_395 = arith.addf %add3A_394, %mul3A_392 : vector<16xf32>
      %mul3A_396 = arith.mulf %mul3A_389, %add3A_395 : vector<16xf32>
      %add3A_397 = arith.constant 0.333333343 : f32
      %add3A_398 = vector.broadcast %add3A_397 : f32 to vector<16xf32>
      %add3A_399 = arith.addf %add3A_398, %mul3A_396 : vector<16xf32>
      %mul3A_400 = arith.mulf %mul3A_389, %add3A_399 : vector<16xf32>
      %add3A_401 = arith.constant 1.000000e+00 : f32
      %add3A_402 = vector.broadcast %add3A_401 : f32 to vector<16xf32>
      %add3A_403 = arith.addf %add3A_402, %mul3A_400 : vector<16xf32>
      %convert_element_type3A_404 = arith.sitofp %select_n3A_381 : vector<16xi32> to vector<16xf32>
      %mul3A_405 = arith.constant 0.693147182 : f32
      %mul3A_406 = vector.broadcast %mul3A_405 : f32 to vector<16xf32>
      %mul3A_407 = arith.mulf %convert_element_type3A_404, %mul3A_406 : vector<16xf32>
      %mul3A_408 = arith.constant 2.000000e+00 : f32
      %mul3A_409 = vector.broadcast %mul3A_408 : f32 to vector<16xf32>
      %mul3A_410 = arith.mulf %mul3A_409, %div3A_388 : vector<16xf32>
      %mul3A_411 = arith.mulf %mul3A_410, %add3A_403 : vector<16xf32>
      %add3A_412 = arith.addf %mul3A_407, %mul3A_411 : vector<16xf32>
      %sub3A_413 = arith.subf %add3A_350, %add3A_412 : vector<16xf32>
      %mul3A_414 = arith.mulf %get3A_287, %sub3A_413 : vector<16xf32>
      %eq3A_415 = arith.constant 0.000000e+00 : f32
      %eq3A_416 = vector.broadcast %eq3A_415 : f32 to vector<16xf32>
      %eq3A_417 = arith.cmpf oeq, %get3A_287, %eq3A_416 : vector<16xf32>
      %jit3A_418 = arith.constant 0.000000e+00 : f32
      %broadcast_in_dim3A_419 = vector.broadcast %jit3A_418 : f32 to vector<16xf32>
      %select_n3A_420 = arith.select %eq3A_417, %broadcast_in_dim3A_419, %mul3A_414 : vector<16xi1>, vector<16xf32>
      %add3A_421 = arith.addf %add3A_283, %select_n3A_420 : vector<16xf32>
      %get3A_422 = arith.index_cast %scan3A_18 : i32 to index
      %get3A_423 = arith.constant 35 : index
      %get3A_424 = tpu.vector_load %arg5[%get3A_422, %get3A_423] {strides = array<i32>} : memref<128x51xf32, #tpu.memory_space<vmem>>, vector<1x16xf32>,
      %get3A_425 = vector.shape_cast %get3A_424 : vector<1x16xf32> to vector<16xf32>
      %get3A_426 = arith.index_cast %scan3A_18 : i32 to index
      %get3A_427 = arith.constant 35 : index
      %get3A_428 = tpu.vector_load %arg6[%get3A_426, %get3A_427] {strides = array<i32>} : memref<128x51xf32, #tpu.memory_space<vmem>>, vector<1x16xf32>,
      %get3A_429 = vector.shape_cast %get3A_428 : vector<1x16xf32> to vector<16xf32>
      %bitcast_convert_type3A_430 = tpu.bitcast %get3A_425 : vector<16xf32> -> vector<16xi32>
      %shift_right_arithmetic3A_431 = arith.constant 23 : i32
      %shift_right_arithmetic3A_432 = vector.broadcast %shift_right_arithmetic3A_431 : i32 to vector<16xi32>
      %shift_right_arithmetic3A_433 = arith.shrsi %bitcast_convert_type3A_430, %shift_right_arithmetic3A_432 : vector<16xi32>
      %and3A_434 = arith.constant 255 : i32
      %and3A_435 = vector.broadcast %and3A_434 : i32 to vector<16xi32>
      %and3A_436 = arith.andi %shift_right_arithmetic3A_433, %and3A_435 : vector<16xi32>
      %sub3A_437 = arith.constant 127 : i32
      %sub3A_438 = vector.broadcast %sub3A_437 : i32 to vector<16xi32>
      %sub3A_439 = arith.subi %and3A_436, %sub3A_438 : vector<16xi32>
      %and3A_440 = arith.constant 8388607 : i32
      %and3A_441 = vector.broadcast %and3A_440 : i32 to vector<16xi32>
      %and3A_442 = arith.andi %bitcast_convert_type3A_430, %and3A_441 : vector<16xi32>
      %or3A_443 = arith.constant 1065353216 : i32
      %or3A_444 = vector.broadcast %or3A_443 : i32 to vector<16xi32>
      %or3A_445 = arith.ori %and3A_442, %or3A_444 : vector<16xi32>
      %bitcast_convert_type3A_446 = tpu.bitcast %or3A_445 : vector<16xi32> -> vector<16xf32>
      %gt3A_447 = arith.constant 1.41421354 : f32
      %gt3A_448 = vector.broadcast %gt3A_447 : f32 to vector<16xf32>
      %gt3A_449 = arith.cmpf ogt, %bitcast_convert_type3A_446, %gt3A_448 : vector<16xf32>
      %mul3A_450 = arith.constant 5.000000e-01 : f32
      %mul3A_451 = vector.broadcast %mul3A_450 : f32 to vector<16xf32>
      %mul3A_452 = arith.mulf %bitcast_convert_type3A_446, %mul3A_451 : vector<16xf32>
      %select_n3A_453 = arith.select %gt3A_449, %mul3A_452, %bitcast_convert_type3A_446 : vector<16xi1>, vector<16xf32>
      %add3A_454 = arith.constant 1 : i32
      %add3A_455 = vector.broadcast %add3A_454 : i32 to vector<16xi32>
      %add3A_456 = arith.addi %sub3A_439, %add3A_455 : vector<16xi32>
      %select_n3A_457 = arith.select %gt3A_449, %add3A_456, %sub3A_439 : vector<16xi1>, vector<16xi32>
      %sub3A_458 = arith.constant 1.000000e+00 : f32
      %sub3A_459 = vector.broadcast %sub3A_458 : f32 to vector<16xf32>
      %sub3A_460 = arith.subf %select_n3A_453, %sub3A_459 : vector<16xf32>
      %add3A_461 = arith.constant 1.000000e+00 : f32
      %add3A_462 = vector.broadcast %add3A_461 : f32 to vector<16xf32>
      %add3A_463 = arith.addf %select_n3A_453, %add3A_462 : vector<16xf32>
      %div3A_464 = arith.divf %sub3A_460, %add3A_463 : vector<16xf32>
      %mul3A_465 = arith.mulf %div3A_464, %div3A_464 : vector<16xf32>
      %mul3A_466 = arith.constant 0.142857149 : f32
      %mul3A_467 = vector.broadcast %mul3A_466 : f32 to vector<16xf32>
      %mul3A_468 = arith.mulf %mul3A_465, %mul3A_467 : vector<16xf32>
      %add3A_469 = arith.constant 2.000000e-01 : f32
      %add3A_470 = vector.broadcast %add3A_469 : f32 to vector<16xf32>
      %add3A_471 = arith.addf %add3A_470, %mul3A_468 : vector<16xf32>
      %mul3A_472 = arith.mulf %mul3A_465, %add3A_471 : vector<16xf32>
      %add3A_473 = arith.constant 0.333333343 : f32
      %add3A_474 = vector.broadcast %add3A_473 : f32 to vector<16xf32>
      %add3A_475 = arith.addf %add3A_474, %mul3A_472 : vector<16xf32>
      %mul3A_476 = arith.mulf %mul3A_465, %add3A_475 : vector<16xf32>
      %add3A_477 = arith.constant 1.000000e+00 : f32
      %add3A_478 = vector.broadcast %add3A_477 : f32 to vector<16xf32>
      %add3A_479 = arith.addf %add3A_478, %mul3A_476 : vector<16xf32>
      %convert_element_type3A_480 = arith.sitofp %select_n3A_457 : vector<16xi32> to vector<16xf32>
      %mul3A_481 = arith.constant 0.693147182 : f32
      %mul3A_482 = vector.broadcast %mul3A_481 : f32 to vector<16xf32>
      %mul3A_483 = arith.mulf %convert_element_type3A_480, %mul3A_482 : vector<16xf32>
      %mul3A_484 = arith.constant 2.000000e+00 : f32
      %mul3A_485 = vector.broadcast %mul3A_484 : f32 to vector<16xf32>
      %mul3A_486 = arith.mulf %mul3A_485, %div3A_464 : vector<16xf32>
      %mul3A_487 = arith.mulf %mul3A_486, %add3A_479 : vector<16xf32>
      %add3A_488 = arith.addf %mul3A_483, %mul3A_487 : vector<16xf32>
      %add3A_489 = arith.constant 1.000000e-16 : f32
      %add3A_490 = vector.broadcast %add3A_489 : f32 to vector<16xf32>
      %add3A_491 = arith.addf %get3A_429, %add3A_490 : vector<16xf32>
      %bitcast_convert_type3A_492 = tpu.bitcast %add3A_491 : vector<16xf32> -> vector<16xi32>
      %shift_right_arithmetic3A_493 = arith.constant 23 : i32
      %shift_right_arithmetic3A_494 = vector.broadcast %shift_right_arithmetic3A_493 : i32 to vector<16xi32>
      %shift_right_arithmetic3A_495 = arith.shrsi %bitcast_convert_type3A_492, %shift_right_arithmetic3A_494 : vector<16xi32>
      %and3A_496 = arith.constant 255 : i32
      %and3A_497 = vector.broadcast %and3A_496 : i32 to vector<16xi32>
      %and3A_498 = arith.andi %shift_right_arithmetic3A_495, %and3A_497 : vector<16xi32>
      %sub3A_499 = arith.constant 127 : i32
      %sub3A_500 = vector.broadcast %sub3A_499 : i32 to vector<16xi32>
      %sub3A_501 = arith.subi %and3A_498, %sub3A_500 : vector<16xi32>
      %and3A_502 = arith.constant 8388607 : i32
      %and3A_503 = vector.broadcast %and3A_502 : i32 to vector<16xi32>
      %and3A_504 = arith.andi %bitcast_convert_type3A_492, %and3A_503 : vector<16xi32>
      %or3A_505 = arith.constant 1065353216 : i32
      %or3A_506 = vector.broadcast %or3A_505 : i32 to vector<16xi32>
      %or3A_507 = arith.ori %and3A_504, %or3A_506 : vector<16xi32>
      %bitcast_convert_type3A_508 = tpu.bitcast %or3A_507 : vector<16xi32> -> vector<16xf32>
      %gt3A_509 = arith.constant 1.41421354 : f32
      %gt3A_510 = vector.broadcast %gt3A_509 : f32 to vector<16xf32>
      %gt3A_511 = arith.cmpf ogt, %bitcast_convert_type3A_508, %gt3A_510 : vector<16xf32>
      %mul3A_512 = arith.constant 5.000000e-01 : f32
      %mul3A_513 = vector.broadcast %mul3A_512 : f32 to vector<16xf32>
      %mul3A_514 = arith.mulf %bitcast_convert_type3A_508, %mul3A_513 : vector<16xf32>
      %select_n3A_515 = arith.select %gt3A_511, %mul3A_514, %bitcast_convert_type3A_508 : vector<16xi1>, vector<16xf32>
      %add3A_516 = arith.constant 1 : i32
      %add3A_517 = vector.broadcast %add3A_516 : i32 to vector<16xi32>
      %add3A_518 = arith.addi %sub3A_501, %add3A_517 : vector<16xi32>
      %select_n3A_519 = arith.select %gt3A_511, %add3A_518, %sub3A_501 : vector<16xi1>, vector<16xi32>
      %sub3A_520 = arith.constant 1.000000e+00 : f32
      %sub3A_521 = vector.broadcast %sub3A_520 : f32 to vector<16xf32>
      %sub3A_522 = arith.subf %select_n3A_515, %sub3A_521 : vector<16xf32>
      %add3A_523 = arith.constant 1.000000e+00 : f32
      %add3A_524 = vector.broadcast %add3A_523 : f32 to vector<16xf32>
      %add3A_525 = arith.addf %select_n3A_515, %add3A_524 : vector<16xf32>
      %div3A_526 = arith.divf %sub3A_522, %add3A_525 : vector<16xf32>
      %mul3A_527 = arith.mulf %div3A_526, %div3A_526 : vector<16xf32>
      %mul3A_528 = arith.constant 0.142857149 : f32
      %mul3A_529 = vector.broadcast %mul3A_528 : f32 to vector<16xf32>
      %mul3A_530 = arith.mulf %mul3A_527, %mul3A_529 : vector<16xf32>
      %add3A_531 = arith.constant 2.000000e-01 : f32
      %add3A_532 = vector.broadcast %add3A_531 : f32 to vector<16xf32>
      %add3A_533 = arith.addf %add3A_532, %mul3A_530 : vector<16xf32>
      %mul3A_534 = arith.mulf %mul3A_527, %add3A_533 : vector<16xf32>
      %add3A_535 = arith.constant 0.333333343 : f32
      %add3A_536 = vector.broadcast %add3A_535 : f32 to vector<16xf32>
      %add3A_537 = arith.addf %add3A_536, %mul3A_534 : vector<16xf32>
      %mul3A_538 = arith.mulf %mul3A_527, %add3A_537 : vector<16xf32>
      %add3A_539 = arith.constant 1.000000e+00 : f32
      %add3A_540 = vector.broadcast %add3A_539 : f32 to vector<16xf32>
      %add3A_541 = arith.addf %add3A_540, %mul3A_538 : vector<16xf32>
      %convert_element_type3A_542 = arith.sitofp %select_n3A_519 : vector<16xi32> to vector<16xf32>
      %mul3A_543 = arith.constant 0.693147182 : f32
      %mul3A_544 = vector.broadcast %mul3A_543 : f32 to vector<16xf32>
      %mul3A_545 = arith.mulf %convert_element_type3A_542, %mul3A_544 : vector<16xf32>
      %mul3A_546 = arith.constant 2.000000e+00 : f32
      %mul3A_547 = vector.broadcast %mul3A_546 : f32 to vector<16xf32>
      %mul3A_548 = arith.mulf %mul3A_547, %div3A_526 : vector<16xf32>
      %mul3A_549 = arith.mulf %mul3A_548, %add3A_541 : vector<16xf32>
      %add3A_550 = arith.addf %mul3A_545, %mul3A_549 : vector<16xf32>
      %sub3A_551 = arith.subf %add3A_488, %add3A_550 : vector<16xf32>
      %mul3A_552 = arith.mulf %get3A_425, %sub3A_551 : vector<16xf32>
      %eq3A_553 = arith.constant 0.000000e+00 : f32
      %eq3A_554 = vector.broadcast %eq3A_553 : f32 to vector<16xf32>
      %eq3A_555 = arith.cmpf oeq, %get3A_425, %eq3A_554 : vector<16xf32>
      %jit3A_556 = arith.constant 0.000000e+00 : f32
      %broadcast_in_dim3A_557 = vector.broadcast %jit3A_556 : f32 to vector<16xf32>
      %select_n3A_558 = arith.select %eq3A_555, %broadcast_in_dim3A_557, %mul3A_552 : vector<16xi1>, vector<16xf32>
      %jit3A_559 = arith.constant 0.000000e+00 : f32
      %broadcast_in_dim3A_560 = vector.broadcast %jit3A_559 : f32 to vector<16xf32>
      %select_n3A_561 = arith.select %ge3A_6, %select_n3A_558, %broadcast_in_dim3A_560 : vector<16xi1>, vector<16xf32>
      %add3A_562 = arith.addf %add3A_421, %select_n3A_561 : vector<16xf32>
      scf.yield %add3A_562 : vector<16xf32>
    }
    %scan3A_12 = arith.constant 128 : i32
    %swap3A = arith.constant 0 : index
    %swap3A_13 = tpu.vector_load %arg7[%swap3A] {strides = array<i32>} : memref<16xf32, #tpu.memory_space<vmem>>, vector<16xf32>,
    %swap3A_14 = vector.shape_cast %swap3A_13 : vector<16xf32> to vector<16xf32>
    %swap3A_15 = vector.shape_cast %scan3A_11 : vector<16xf32> to vector<16xf32>
    tpu.vector_store %arg7[%swap3A], %swap3A_15 {strides = array<i32>} : memref<16xf32, #tpu.memory_space<vmem>>, vector<16xf32>,
    %mul3A_16 = arith.constant 16 : i32
    %mul3A_17 = arith.muli %add3A, %mul3A_16 : i32
    "tpu.region"() ({
      %run_scoped3A = tpu.sem_alloc : memref<!tpu.dma_semaphore, #tpu.memory_space<semaphore_mem>>
      %dma_start3A = tpu.memref_slice %arg4[%mul3A_17] : memref<512xf32, #tpu.memory_space<hbm>> -> memref<16xf32, #tpu.memory_space<hbm>>
      %dma_start3A_18 = tpu.memref_slice %arg4[%mul3A_17] : memref<512xf32, #tpu.memory_space<hbm>> -> memref<16xf32, #tpu.memory_space<hbm>>
      tpu.enqueue_dma source(%arg7 : memref<16xf32, #tpu.memory_space<vmem>>) target(%dma_start3A_18 : memref<16xf32, #tpu.memory_space<hbm>>) target_semaphore(%run_scoped3A : memref<!tpu.dma_semaphore, #tpu.memory_space<semaphore_mem>>)
      %dma_wait3A = tpu.memref_slice %arg4[%mul3A_17] : memref<512xf32, #tpu.memory_space<hbm>> -> memref<16xf32, #tpu.memory_space<hbm>>
      %dma_wait3A_19 = tpu.memref_slice %arg4[%mul3A_17] : memref<512xf32, #tpu.memory_space<hbm>> -> memref<16xf32, #tpu.memory_space<hbm>>
      tpu.wait_dma2 semaphore(%run_scoped3A : memref<!tpu.dma_semaphore, #tpu.memory_space<semaphore_mem>>) src(%arg7 : memref<16xf32, #tpu.memory_space<vmem>>) dst(%dma_wait3A_19 : memref<16xf32, #tpu.memory_space<hbm>>)
      tpu.yield
    }) : () -> ()
    return
  }
}

module attributes {stable_mosaic.version = 14 : i64} {
  func.func @_tc_block(%arg0: i32, %arg1: memref<51x51xf32, #tpu.memory_space<vmem>>, %arg2: memref<3072x51xf32, #tpu.memory_space<vmem>>, %arg3: memref<3072x51xf32, #tpu.memory_space<vmem>>, %arg4: memref<1x1xf32, #tpu.memory_space<vmem>>) attributes {dimension_semantics = [#tpu.dimension_semantics<arbitrary>], iteration_bounds = array<i64: 4>, scalar_prefetch = 0 : i64, scratch_operands = 0 : i64, tpu.core_type = #tpu.core_type<tc>, window_params = [{pipeline_mode = #tpu.pipeline_mode<synchronous>, transform_indices = @transform_0, window_bounds = array<i64: 51, 51>}, {transform_indices = @transform_1, window_bounds = array<i64: 3072, 51>}, {transform_indices = @transform_2, window_bounds = array<i64: 3072, 51>}, {pipeline_mode = #tpu.pipeline_mode<synchronous>, transform_indices = @transform_3, window_bounds = array<i64: 1, 1>}]} {
    %get3A = arith.constant 0 : index
    %get3A_0 = arith.constant 0 : index
    %get3A_1 = vector.load %arg2[%get3A, %get3A_0] : memref<3072x51xf32, #tpu.memory_space<vmem>>, vector<3072x51xf32>
    %get3A_2 = arith.constant 0 : index
    %get3A_3 = arith.constant 0 : index
    %get3A_4 = vector.load %arg3[%get3A_2, %get3A_3] : memref<3072x51xf32, #tpu.memory_space<vmem>>, vector<3072x51xf32>
    %get3A_5 = arith.constant 0 : index
    %get3A_6 = arith.constant 0 : index
    %get3A_7 = vector.load %arg1[%get3A_5, %get3A_6] : memref<51x51xf32, #tpu.memory_space<vmem>>, vector<51x51xf32>
    %dot_general3A = arith.constant dense<0.000000e+00> : vector<3072x51xf32>
    %dot_general3A_8 = tpu.matmul %get3A_1, %get3A_7, %dot_general3A {dimension_numbers = #tpu.dot_dimension_numbers<[1], [0], [0], [1], [0, 0, 1, 1], [], []>, transpose_lhs_hint = false} : vector<3072x51xf32>, vector<51x51xf32>, vector<3072x51xf32> -> vector<3072x51xf32>
    %eq3A = arith.constant 0.000000e+00 : f32
    %eq3A_9 = vector.broadcast %eq3A : f32 to vector<3072x51xf32>
    %eq3A_10 = arith.cmpf oeq, %dot_general3A_8, %eq3A_9 : vector<3072x51xf32>
    %log3A = math.log %dot_general3A_8 : vector<3072x51xf32>
    %mul3A = arith.mulf %dot_general3A_8, %log3A : vector<3072x51xf32>
    %jit3A = arith.constant 0.000000e+00 : f32
    %broadcast_in_dim3A = vector.broadcast %jit3A : f32 to vector<3072x51xf32>
    %select_n3A = arith.select %eq3A_10, %broadcast_in_dim3A, %mul3A : vector<3072x51xi1>, vector<3072x51xf32>
    %add3A = arith.constant 1.000000e-16 : f32
    %add3A_11 = vector.broadcast %add3A : f32 to vector<3072x51xf32>
    %add3A_12 = arith.addf %get3A_4, %add3A_11 : vector<3072x51xf32>
    %log3A_13 = math.log %add3A_12 : vector<3072x51xf32>
    %mul3A_14 = arith.mulf %dot_general3A_8, %log3A_13 : vector<3072x51xf32>
    %sub3A = arith.subf %select_n3A, %mul3A_14 : vector<3072x51xf32>
    %reduce_sum3A = vector.shape_cast %sub3A : vector<3072x51xf32> to vector<1x3072x51xf32>
    %reduce_sum3A_15 = arith.constant dense<0.000000e+00> : vector<1xf32>
    %reduce_sum3A_16 = vector.multi_reduction <add>, %reduce_sum3A, %reduce_sum3A_15 [1, 2] : vector<1x3072x51xf32> to vector<1xf32>
    %reduce_sum3A_17 = vector.shape_cast %reduce_sum3A_16 : vector<1xf32> to vector<1x1x1xf32>
    %reduce_sum3A_18 = vector.extract %reduce_sum3A_17[0, 0, 0] : f32 from vector<1x1x1xf32>
    %broadcast_in_dim3A_19 = vector.broadcast %reduce_sum3A_18 : f32 to vector<1x1xf32>
    %eq3A_20 = arith.constant 0 : i32
    %eq3A_21 = arith.cmpi eq, %arg0, %eq3A_20 : i32
    %convert_element_type3A = arith.extui %eq3A_21 : i1 to i32
    %cond3A = arith.constant 0 : i32
    %cond3A_22 = arith.cmpi ne, %convert_element_type3A, %cond3A : i32
    scf.if %cond3A_22 {
      %broadcast_in_dim3A_29 = arith.constant 0.000000e+00 : f32
      %broadcast_in_dim3A_30 = vector.broadcast %broadcast_in_dim3A_29 : f32 to vector<1x1xf32>
      %swap3A_31 = arith.constant 0 : index
      %swap3A_32 = arith.constant 0 : index
      %swap3A_33 = vector.load %arg4[%swap3A_31, %swap3A_32] : memref<1x1xf32, #tpu.memory_space<vmem>>, vector<1x1xf32>
      tpu.vector_store %arg4[%swap3A_31, %swap3A_32], %broadcast_in_dim3A_30 {strides = array<i32>} : memref<1x1xf32, #tpu.memory_space<vmem>>, vector<1x1xf32>,
    } else {
    }
    %get3A_23 = arith.constant 0 : index
    %get3A_24 = arith.constant 0 : index
    %get3A_25 = vector.load %arg4[%get3A_23, %get3A_24] : memref<1x1xf32, #tpu.memory_space<vmem>>, vector<1x1xf32>
    %add3A_26 = arith.addf %get3A_25, %broadcast_in_dim3A_19 : vector<1x1xf32>
    %swap3A = arith.constant 0 : index
    %swap3A_27 = arith.constant 0 : index
    %swap3A_28 = vector.load %arg4[%swap3A, %swap3A_27] : memref<1x1xf32, #tpu.memory_space<vmem>>, vector<1x1xf32>
    tpu.vector_store %arg4[%swap3A, %swap3A_27], %add3A_26 {strides = array<i32>} : memref<1x1xf32, #tpu.memory_space<vmem>>, vector<1x1xf32>,
    return
  }
  func.func @transform_0(%arg0: i32) -> (i32, i32) {
    %c0_i32 = arith.constant 0 : i32
    %c0_i32_0 = arith.constant 0 : i32
    %c0_i32_1 = arith.constant 0 : i32
    return %c0_i32, %c0_i32_0 : i32, i32
  }
  func.func @transform_1(%arg0: i32) -> (i32, i32) {
    %c0_i32 = arith.constant 0 : i32
    %c0_i32_0 = arith.constant 0 : i32
    return %arg0, %c0_i32 : i32, i32
  }
  func.func @transform_2(%arg0: i32) -> (i32, i32) {
    %c0_i32 = arith.constant 0 : i32
    %c0_i32_0 = arith.constant 0 : i32
    return %arg0, %c0_i32 : i32, i32
  }
  func.func @transform_3(%arg0: i32) -> (i32, i32) {
    %c0_i32 = arith.constant 0 : i32
    %c0_i32_0 = arith.constant 0 : i32
    %c0_i32_1 = arith.constant 0 : i32
    return %c0_i32, %c0_i32_0 : i32, i32
  }
}

</mosaic_0001>

<sc_bundles>
// kernel: kernel.4.cloned.1.call-start
scs
__scs_entry_jumppad:
0x0: {  	(pc) =	sbr.rel $0x88, $3  }
0x1: {  	(tag) =	ssettag $0x0;
	lr =	simm.s32 $0x1  }
0x2: {  	[smem:$0x3F9F] =	sst lr;
	_ =	strace $0xD0000000  }
0x3: {  	_ = 	snop  }
0x4: {  	_ = 	snop  }
0x5: {  	_ = 	snop  }
0x6: {  	_ = 	snop  }
0x7: {  	_ = 	snop  }
__scs_overlays_trampoline_lowered:
0x8: {  	[smem:$0x3FAE] =	sst s0  }
0x9: {  	[smem:$0x3FAF] =	sst s1  }
0xa: {  	[smem:$0x3FB0] =	sst s2  }
0xb: {  	[smem:$0x3FB1] =	sst s3  }
0xc: {  	[smem:$0x3FB2] =	sst s4  }
0xd: {  	[smem:$0x3FB3] =	sst s5  }
0xe: {  	[smem:$0x3FB4] =	sst s6  }
0xf: {  	[smem:$0x3FB5] =	sst s7  }
0x10: {  	[smem:$0x3FB6] =	sst s8  }
0x11: {  	[smem:$0x3FB7] =	sst s9;
	s0 =	simm.s32 @!p0 $0x0  }
0x12: {  	s1 =	sld [smem:$0x3F9D];
	s0 =	simm.s32 @p0 $0x1  }
0x13: {  	[smem:$0x3FB8] =	sst s0;
	s0 =	simm.s32 @!p1 $0x0  }
0x14: {  	s2 =	sld [smem:$0x3F9C];
	s0 =	simm.s32 @p1 $0x1  }
0x15: {  	[smem:$0x3FB9] =	sst s0;
	s0 =	simm.s32 @!p2 $0x0  }
0x16: {  	s3 =	sld [smem:$0x3FDB];
	s0 =	simm.s32 @p2 $0x1  }
0x17: {  	s4 =	simm.s32 $0x1BF5;
	[smem:$0x3FBB] =	sst s0  }
0x18: {  	s0 =	sld [smem:$0x3F9E];
	_ =	swait.ge [sflag:s4], $0x0  }
0x19: {  	s7 =	sld [smem:$0x3F9F]  }
0x1a: {  	s8 =	sadd.s32 $0xFFFFE003, lr  }
0x1b: {  	s9 =	sadd.s32 $0xFFFFFEF7, lr;
	s5 =	simm.s32 $0xFFFFFFFF;
	p2 =	slt.u32 s8, $0xFFFFF086  }
0x1c: {  	p1 =	slt.u32 s9, $0xF7A;
	s5 =	simm.s32 @!p2 $0x0  }
0x1d: {  	s5 =	simm.s32 @p1 $0x1;
	p0 =	seq.s32 s7, s2  }
0x1e: {  	s7 =	smul.u32 @!p0 $0xF7A, s2;
	p2 =	seq.s32 @!p0 s5, $0x0  }
0x1f: {  	s9 =	smul.u32 $0xF7A, s1;
	s8 =	simm.s32 @!p0 $0x1BF5;
	p2 =	por !p2, p0  }
0x20: {  	[sflag:s8] =	ssyncset.s32 @!p0 $0xFFFFF086;
	s6 =	sadd.s32 @!p0 s3, s7;
	s7 =	simm.s32 @!p0 $0x108  }
0x21: {  	s3 =	sadd.s32 s3, s9;
	s6 =	sadd.s32 @!p0 $0x88, s6;
	s7 =	simm.s32 @p2 $0x1082  }
0x22: {  	[simem:s7], [sflag:s8] =	dma.local @!p0 [hbm:s6], $0xF7A  }
0x23: {  	s9 =	sor.u32 $0xD0000000, s2;
	s6 =	simm.s32 $0x108;
	_ =	swait.ge @!p0 [sflag:s8], $0x0  }
0x24: {  	s3 =	sadd.s32 $0x88, s3;
	s6 =	simm.s32 @!p1 $0x1082;
	[sflag:s4] =	ssyncset.s32 $0xFFFFF086  }
0x25: {  	[simem:s6], [sflag:s4] =	dma.local [hbm:s3], $0xF7A  }
0x26: {  	[smem:$0x3F9F] =	sst s1;
	(tag) =	ssettag s2;
	_ =	strace s9  }
0x27: {  	s1 =	sld [smem:$0x3FAF]  }
0x28: {  	s2 =	sld [smem:$0x3FB0]  }
0x29: {  	s4 =	sld [smem:$0x3FB2]  }
0x2a: {  	p0 =	seq.s32 s5, $0x0;
	s5 =	sld [smem:$0x3FB3]  }
0x2b: {  	s6 =	sld [smem:$0x3FB4]  }
0x2c: {  	s7 =	sld [smem:$0x3FB5]  }
0x2d: {  	s3 =	simm.s32 $0x108;
	s8 =	sld [smem:$0x3FB6]  }
0x2e: {  	s3 =	simm.s32 @!p0 $0x1082;
	s9 =	sld [smem:$0x3FB7]  }
0x2f: {  	lr =	sadd.s32 s0, s3;
	s0 =	sld [smem:$0x3FAE]  }
0x30: {  	s3 =	sld [smem:$0x3FB1]  }
0x31: {  	[smem:$0x3FBA] =	sst s10  }
0x32: {  	s10 =	sld [smem:$0x3FB8];
	_ =	sdelay $0x3  }
0x33: {  	p0 =	seq.s32 s10, $0x1;
	s10 =	sld [smem:$0x3FBA];
	_ =	sdelay $0x3  }
0x34: {  	[smem:$0x3FBA] =	sst s10  }
0x35: {  	s10 =	sld [smem:$0x3FB9];
	_ =	sdelay $0x3  }
0x36: {  	p1 =	seq.s32 s10, $0x1;
	s10 =	sld [smem:$0x3FBA];
	_ =	sdelay $0x3  }
0x37: {  	[smem:$0x3FBA] =	sst s10  }
0x38: {  	s10 =	sld [smem:$0x3FBB]  }
0x39: {  	_ = 	snop;
	(pc) =	sbr.ind lr, $3  }
0x3a: {  	_ = 	snop  }
0x3b: {  	_ = 	snop  }
0x3c: {  	p2 =	seq.s32 s10, $0x1;
	s10 =	sld [smem:$0x3FBA]  }
0x3d: {  	_ =	shalt  }
0x3e: {  	_ =	shalt  }
0x3f: {  	_ =	shalt  }
0x40: {  	_ =	shalt  }
0x41: {  	_ =	shalt  }
0x42: {  	_ =	shalt  }
0x43: {  	_ =	shalt  }
0x44: {  	_ =	shalt  }
0x45: {  	_ =	shalt  }
0x46: {  	_ =	shalt  }
0x47: {  	_ =	shalt  }
0x48: {  	_ =	shalt  }
0x49: {  	_ =	shalt  }
0x4a: {  	_ =	shalt  }
0x4b: {  	_ =	shalt  }
0x4c: {  	_ =	shalt  }
0x4d: {  	_ =	shalt  }
0x4e: {  	_ =	shalt  }
0x4f: {  	_ =	shalt  }
0x50: {  	_ =	shalt  }
0x51: {  	_ =	shalt  }
0x52: {  	_ =	shalt  }
0x53: {  	_ =	shalt  }
0x54: {  	_ =	shalt  }
0x55: {  	_ =	shalt  }
0x56: {  	_ =	shalt  }
0x57: {  	_ =	shalt  }
0x58: {  	_ =	shalt  }
0x59: {  	_ =	shalt  }
0x5a: {  	_ =	shalt  }
0x5b: {  	_ =	shalt  }
0x5c: {  	_ =	shalt  }
0x5d: {  	_ =	shalt  }
0x5e: {  	_ =	shalt  }
0x5f: {  	_ =	shalt  }
0x60: {  	_ =	shalt  }
0x61: {  	_ =	shalt  }
0x62: {  	_ =	shalt  }
0x63: {  	_ =	shalt  }
0x64: {  	_ =	shalt  }
0x65: {  	_ =	shalt  }
0x66: {  	_ =	shalt  }
0x67: {  	_ =	shalt  }
0x68: {  	_ =	shalt  }
0x69: {  	_ =	shalt  }
0x6a: {  	_ =	shalt  }
0x6b: {  	_ =	shalt  }
0x6c: {  	_ =	shalt  }
0x6d: {  	_ =	shalt  }
0x6e: {  	_ =	shalt  }
0x6f: {  	_ =	shalt  }
0x70: {  	_ =	shalt  }
0x71: {  	_ =	shalt  }
0x72: {  	_ =	shalt  }
0x73: {  	_ =	shalt  }
0x74: {  	_ =	shalt  }
0x75: {  	_ =	shalt  }
0x76: {  	_ =	shalt  }
0x77: {  	_ =	shalt  }
0x78: {  	_ =	shalt  }
0x79: {  	_ =	shalt  }
0x7a: {  	_ =	shalt  }
0x7b: {  	_ =	shalt  }
0x7c: {  	_ =	shalt  }
0x7d: {  	_ =	shalt  }
0x7e: {  	_ =	shalt  }
0x7f: {  	_ =	shalt  }
0x80: {  	_ =	shalt  }
0x81: {  	_ =	shalt  }
0x82: {  	_ =	shalt  }
0x83: {  	_ =	shalt  }
0x84: {  	_ =	shalt  }
0x85: {  	_ =	shalt  }
0x86: {  	_ =	shalt  }
0x87: {  	_ =	shalt  }
.Lfunc_end0:
.L_simem_size_0:
called_computation_lowered:
.L_overlay_start_0:
0x88: {  	s2 =	sld [smem:$0x3FD9]  }
0x89: {  	s3 =	sld [smem:$0x3FFE];
	_ =	sdelay $0x1  }
0x8a: {  	s1 =	srdreg.scid  }
0x8b: {  	s0 =	sand.u32 $0x1, s1  }
0x8c: {  	s16 =	sshll.u32 s0, $0xA;
	s2 =	sadd.s32 s3, s2  }
0x8d: {  	s2 =	sadd.s32 s2, s16  }
0x8e: {  	[smem:$0x3FC6] =	sst s2  }
0x8f: {  	_ = 	snop  }
0x90: {  	(tm) =	ssettm $0x1  }
0x91: {  	s17 =	sld [smem:$0x3FFB];
	_ =	sdelay $0x3  }
0x92: {  	_ =	strace s17  }
0x93: {  	s2 =	sld [smem:$0x3FFC];
	_ =	sdelay $0x3  }
0x94: {  	_ =	strace s2  }
0x95: {  	s2 =	sld [smem:$0x3FFD];
	_ =	sdelay $0x3  }
0x96: {  	_ =	strace s2  }
0x97: {  	_ =	strace $0x8FFFFFFF  }
0x98: {  	s18 =	sld [smem:$0x3FDB];
	_ =	sdelay $0x1  }
0x99: {  	s19 =	simm.s32 $_scs_section_size  }
0x9a: {  	s4 =	simm.s32 $_size__tile_overlayer_lowered;
	s5 =	simm.s32 $_tile_overlayer_lowered  }
0x9b: {  	s22 =	simm.s32 $0x1BFF;
	s21 =	sshll.u32 s5, $0x1;
	s2 =	sadd.s32 s19, s18  }
0x9c: {  	s6 =	simm.s32 $0x0;
	s20 =	sshll.u32 s4, $0x1;
	s4 =	sadd.s32 s21, s2  }
0x9d: {  	[timem:s6], [sflag:s22] =	dma.local [hbm:s4], s20  }
0x9e: {  	_ =	swait.ge [sflag:s22], s20  }
0x9f: {  	s3 =	ssub.s32 $0x0, s20;
	[sflag:s22] =	ssyncset.done $0x0  }
0xa0: {  	[sflag:s22] =	ssyncadd.s32 s3;
	_ =	sdelay $0x1  }
0xa1: {  	s23 =	simm.s32 $0x1B8B  }
0xa2: {  	_ =	swait.ge [sflag:s23], $0x1  }
0xa3: {  	[sflag:s23] =	ssyncset.done $0x0  }
0xa4: {  	s25 =	simm.s32 $0x1B8E;
	s24 =	sld [smem:$0x3FFE];
	[sflag:s23] =	ssyncadd.s32 $0xFFFFFFFF  }
0xa5: {  	s26 =	simm.s32 $execute0_lowered;
	[smem:$0x3FD2] =	sst s25  }
0xa6: {  	s4 =	sshll.u32 s26, $0x1;
	_ =	strace $0x80000046;
	[dreg:$0x1] =	wrdreg $0xFFFFFFFF  }
0xa7: {  	s28 =	simm.s32 $_size_execute0_lowered;
	s2 =	sadd.s32 s2, s4;
	[dreg:$0x0] =	wrdreg $0x0  }
0xa8: {  	s4 =	sshll.u32 s28, $0x1;
	[dreg:$0x2] =	wrdreg s2  }
0xa9: {  	[dreg:$0x3] =	wrdreg s4  }
0xaa: {  	[dreg:$0x4] =	wrdreg $0xC0  }
0xab: {  	_ =	task [dreg:s6], $0x5FFFF  }
0xac: {  	[dreg:$0x1] =	wrdreg $0xFFFFFFFF  }
0xad: {  	[dreg:$0x0] =	wrdreg $0x60  }
0xae: {  	[dreg:$0x2] =	wrdreg s24  }
0xaf: {  	[dreg:$0x3] =	wrdreg $0x9  }
0xb0: {  	_ =	task.clear_ibuf [dreg:s6], $0x4FFFF;
	_ =	strace $0x90000046  }
0xb1: {  	s29 =	simm.s32 $0x9;
	_ =	strace $0x80000048  }
0xb2: {  	_ =	swait.ge [sflag:s29], $0x1  }
0xb3: {  	[sflag:s29] =	ssyncadd.s32 $0xFFFFFFFF  }
0xb4: {  	_ =	strace $0x90000048  }
0xb5: {  	_ =	sfence  }
0xb6: {  	s30 =	sld [smem:$0x0];
	_ =	sdelay $0x2  }
0xb7: {  	s31 =	sshll.u32 s1, $0xD;
	s1 =	sshrl.u32 s1, $0x2  }
0xb8: {  	s3 =	sand.u32 $0x4000, s31;
	s1 =	sadd.s32 s1, s30  }
0xb9: {  	s0 =	sor.u32 s3, s0;
	s1 =	sshll.u32 s1, $0x11  }
0xba: {  	s0 =	sor.u32 s1, s0  }
0xbb: {  	s0 =	sadd.s32 $0x8F2B, s0  }
0xbc: {  	[sflag:s0] =	ssyncadd.remote.s32 $0x1  }
0xbd: {  	_ =	sfence.sel $0xFFFF  }
0xbe: {  	[dreg:$0x0] =	wrdreg $0xFFFFFFFF;
	(pc) =	sbr.abs _section_cstart, $3  }
0xbf: {  	[dreg:$0x1] =	wrdreg $0xFFFFFFFF  }
0xc0: {  	_ =	task.clear_ibuf [dreg:s6], $0x2FFFF;
	_ =	strace $0x9FFFFFFF  }
0xc1: {  	(tm) =	ssettm $0x7FFFFFFF  }
tec
execute0_lowered:
.L_overlay_start_1:
0x0: {  	(tag) =	ssettag $0x1  }
0x1: {  	s3 =	rddreg [dreg:$0x0]  }
0x2: {  	s0 =	rddreg [dreg:$0x1];
	s2 =	simm.s32 $0x0;
	s4 =	srdreg.scid  }
0x3: {  	s1 =	stileid.u32;
	s8 =	simm.s32 $0x4000;
	s9 =	simm.s32 $0x8000  }
0x4: {  	[smem:$0x7FF] =	sst s2;
	s4 =	sand.u32 $0x1, s4;
	s5 =	sshll.u32 s1, $0x1  }
0x5: {  	s10 =	simm.s32 $0x0;
	_ =	strace $0x80000047;
	s5 =	sor.u32 s4, s5  }
0x6: {  	s4 =	ssub.s32 $0x2, s4;
	s6 =	sshll.u32 s5, $0xB;
	s5 =	sshll.u32 s5, $0x1  }
0x7: {  	s31 =	sshrl.u32 s4, $0x1;
	s6 =	sadd.s32 s6, s3;
	s5 =	sadd.s32 s5, s3  }
0x8: {  	s7 =	ssub.s32 s4, s31;
	s3 =	sadd.s32 $0x30E00, s6;
	s4 =	sadd.s32 $0x70E00, s6  }
0x9: {  	v0 =	vimm.s32 $0xFFFFFF81;
	vm0 =	vmmov $0x1fff;
	s5 =	sadd.s32 $0x80E00, s5;
	s6 =	smax.u32 s7, $0x1;
	s7 =	simm.s32 $0x1  }
.LBB2_1:
0xa: {  	[tilespmem:s2], [sflag:$0x1] =	stream.linear.gather [hbm4b:s3+s2], $0x4000, $0x38;
	[tilespmem:$0x8080] =	vst v63  }
0xb: {  	_ =	swait.ge [sflag:s7], $0x4000  }
0xc: {  	[sflag:s7] =	ssyncset.done $0x0  }
0xd: {  	[sflag:s7] =	ssyncadd.s32 $0xFFFFC000  }
0xe: {  	[tilespmem:s8], [sflag:$0x1] =	stream.linear.gather [hbm4b:s4+s2], $0x4000, $0x38;
	[tilespmem:$0x8080] =	vst v63  }
0xf: {  	_ =	swait.ge [sflag:s7], $0x4000  }
0x10: {  	[sflag:s7] =	ssyncset.done $0x0  }
0x11: {  	s11 =	simm.s32 $0x0;
	[sflag:s7] =	ssyncadd.s32 $0xFFFFC000  }
0x12: {  	v1 =	vld [tilespmem:s11+$0x23]  }
0x13: {  	v2 =	vld [tilespmem:s11+$0x20]  }
0x14: {  	v6 =	vld [tilespmem:s11+$0x4023]  }
0x15: {  	v4 =	vld [tilespmem:s11+$0x10]  }
0x16: {  	v3 =	vld [tilespmem:s11+$0x0]  }
0x17: {  	v7 =	vld [tilespmem:s11+$0x4020]  }
0x18: {  	v8 =	vld [tilespmem:s11+$0x4010]  }
0x19: {  	v9 =	vld [tilespmem:s11+$0x4000]  }
0x1a: {  	v5 =	vimm.f32 $0.0e+00;
	v10 =	vshrl.u32 v2, $0x17  }
0x1b: {  	v11 =	vshrl.u32 v1, $0x17;
	v12 =	vshrl.u32 v4, $0x17;
	v13 =	vshrl.u32 v3, $0x17  }
0x1c: {  	v14 =	vand.u32 $0x7FFFFF, v1;
	v15 =	vand.u32 $0x7FFFFF, v2;
	v6 =	vadd.f32 $1.000000020e-16, v6  }
0x1d: {  	v16 =	vand.u32 $0x7FFFFF, v3;
	v17 =	vand.u32 $0x7FFFFF, v4;
	v7 =	vadd.f32 $1.000000020e-16, v7  }
0x1e: {  	v9 =	vadd.f32 $1.000000020e-16, v9;
	v8 =	vadd.f32 $1.000000020e-16, v8;
	v18 =	vand.u32 $0xFF, v11  }
0x1f: {  	v19 =	vand.u32 $0xFF, v13;
	v20 =	vand.u32 $0xFF, v12;
	v22 =	vand.u32 $0xFF, v10  }
0x20: {  	v17 =	vor.u32 $0x3F800000, v17;
	v15 =	vor.u32 $0x3F800000, v15;
	v14 =	vor.u32 $0x3F800000, v14  }
0x21: {  	v26 =	vor.u32 $0x3F800000, v16;
	v10 =	vshrl.u32 v7, $0x17;
	v11 =	vshrl.u32 v6, $0x17  }
0x22: {  	v12 =	vshrl.u32 v9, $0x17;
	v13 =	vshrl.u32 v8, $0x17;
	vm1 =	vgt.f32 v14, $1.414213540e+00  }
0x23: {  	vm2 =	vgt.f32 v15, $1.414213540e+00;
	v16 =	vmul.f32 $5.000000000e-01, v15;
	v27 =	vmul.f32 $5.000000000e-01, v14  }
0x24: {  	vm3 =	vgt.f32 v17, $1.414213540e+00;
	v28 =	vmul.f32 $5.000000000e-01, v17;
	v6 =	vand.u32 $0x7FFFFF, v6  }
0x25: {  	vm4 =	vgt.f32 v26, $1.414213540e+00;
	v29 =	vmul.f32 $5.000000000e-01, v26;
	v21 =	vand.u32 $0x7FFFFF, v7  }
0x26: {  	v23 =	vand.u32 $0x7FFFFF, v9;
	v24 =	vand.u32 $0x7FFFFF, v8;
	v25 =	vsel vm1, $0xFFFFFF82, v0  }
0x27: {  	v30 =	vsel vm2, $0xFFFFFF82, v0;
	v9 =	vand.u32 $0xFF, v10;
	v7 =	vand.u32 $0xFF, v11  }
0x28: {  	v31 =	vsel vm4, $0xFFFFFF82, v0;
	v32 =	vsel vm3, $0xFFFFFF82, v0;
	v10 =	vand.u32 $0xFF, v13  }
0x29: {  	v8 =	vand.u32 $0xFF, v12;
	v11 =	vor.u32 $0x3F800000, v21;
	v12 =	vor.u32 $0x3F800000, v6  }
0x2a: {  	v6 =	vor.u32 $0x3F800000, v23;
	v13 =	vor.u32 $0x3F800000, v24;
	v23 =	vadd.s32 v18, v25  }
0x2b: {  	v21 =	vadd.s32 v19, v31;
	v24 =	vadd.s32 v20, v32;
	v25 =	vadd.s32 v22, v30  }
0x2c: {  	v16 =	vsel vm2, v16, v15;
	v19 =	vsel vm1, v27, v14;
	vm1 =	vgt.f32 v12, $1.414213540e+00  }
0x2d: {  	v20 =	vsel vm3, v28, v17;
	vm3 =	vgt.f32 v11, $1.414213540e+00;
	v14 =	vmul.f32 $5.000000000e-01, v12  }
0x2e: {  	v22 =	vsel vm4, v29, v26;
	vm4 =	vgt.f32 v13, $1.414213540e+00;
	v17 =	vmul.f32 $5.000000000e-01, v11  }
0x2f: {  	s11 =	simm.s32 $0x200;
	vm2 =	vgt.f32 v6, $1.414213540e+00;
	v15 =	vmul.f32 $5.000000000e-01, v6;
	v18 =	vmul.f32 $5.000000000e-01, v13  }
.LBB2_2:
0x30: {  	p0 =	sne.s32 s11, $0xFE00;
	v25 =	vcvt.s32.f32 v25;
	v23 =	vcvt.s32.f32 v23;
	v26 =	vsel vm1, $0xFFFFFF82, v0  }
0x31: {  	v24 =	vcvt.s32.f32 v24;
	v27 =	vsel vm3, $0xFFFFFF82, v0;
	v28 =	vadd.f32 $-1.000000000e+00, v19  }
0x32: {  	v21 =	vcvt.s32.f32 v21;
	v29 =	vadd.f32 $-1.000000000e+00, v20;
	v30 =	vadd.f32 $-1.000000000e+00, v16  }
0x33: {  	v31 =	vadd.f32 $-1.000000000e+00, v22;
	v32 =	vsel vm4, $0xFFFFFF82, v0;
	v19 =	vadd.f32 $1.000000000e+00, v19  }
0x34: {  	v33 =	vsel vm2, $0xFFFFFF82, v0;
	v20 =	vadd.f32 $1.000000000e+00, v20;
	v16 =	vadd.f32 $1.000000000e+00, v16  }
0x35: {  	v22 =	vadd.f32 $1.000000000e+00, v22;
	v26 =	vadd.s32 v7, v26;
	(erf) = vrcp.f32 v19  }
0x36: {  	v17 =	vsel vm3, v17, v11;
	v12 =	vsel vm1, v14, v12;
	(erf) = vrcp.f32 v16  }
0x37: {  	v13 =	vsel vm4, v18, v13;
	v7 =	vadd.f32 $1.000000000e+00, v12;
	(erf) = vrcp.f32 v20  }
0x38: {  	v14 =	vsel vm2, v15, v6;
	v11 =	vadd.f32 $1.000000000e+00, v17;
	(erf) = vrcp.f32 v22  }
0x39: {  	v15 =	vadd.f32 $1.000000000e+00, v13;
	v6 =	vmul.f32 $6.931471820e-01, v23;
	(erf) = vrcp.f32 v7  }
0x3a: {  	v16 =	vadd.f32 $1.000000000e+00, v14;
	v7 =	vmul.f32 $6.931471820e-01, v25;
	(erf) = vrcp.f32 v11  }
0x3b: {  	v9 =	vadd.s32 v9, v27;
	v18 =	vcvt.s32.f32 v26;
	(erf) = vrcp.f32 v15  }
0x3c: {  	v10 =	vadd.s32 v10, v32;
	v11 =	vmul.f32 $6.931471820e-01, v24;
	(erf) = vrcp.f32 v16  }
0x3d: {  	v8 =	vadd.s32 v8, v33;
	v9 =	vcvt.s32.f32 v9;
	v15 =	vmul.f32 $6.931471820e-01, v21  }
0x3e: {  	v12 =	vadd.f32 $-1.000000000e+00, v12;
	v10 =	vcvt.s32.f32 v10;
	v16 =	vcvt.s32.f32 v8;
	v19 =	vpop (erf)  }
0x3f: {  	v17 =	vadd.f32 $-1.000000000e+00, v17;
	v9 =	vmul.f32 $6.931471820e-01, v9;
	v8 =	vmul.f32 $6.931471820e-01, v18;
	v18 =	vpop (erf)  }
0x40: {  	v13 =	vadd.f32 $-1.000000000e+00, v13;
	v10 =	vmul.f32 $6.931471820e-01, v10;
	v19 =	vmul.f32 v19, v28;
	v20 =	vpop (erf)  }
0x41: {  	v14 =	vadd.f32 $-1.000000000e+00, v14;
	v16 =	vmul.f32 $6.931471820e-01, v16;
	v18 =	vmul.f32 v18, v30;
	v21 =	vpop (erf)  }
0x42: {  	v20 =	vmul.f32 v20, v29;
	v22 =	vadd.f32 v19, v19;
	v21 =	vmul.f32 v21, v31;
	v23 =	vpop (erf)  }
0x43: {  	v19 =	vmul.f32 v19, v19;
	v24 =	vmul.f32 v18, v18;
	v18 =	vadd.f32 v18, v18;
	v25 =	vpop (erf)  }
0x44: {  	v26 =	vmul.f32 v20, v20;
	v20 =	vadd.f32 v20, v20;
	v12 =	vmul.f32 v23, v12;
	v23 =	vpop (erf)  }
0x45: {  	v27 =	vmul.f32 v21, v21;
	v21 =	vadd.f32 v21, v21;
	v17 =	vmul.f32 v25, v17;
	v25 =	vpop (erf)  }
0x46: {  	v13 =	vmul.f32 v23, v13;
	v23 =	vadd.f32 v12, v12;
	v14 =	vmul.f32 v25, v14  }
0x47: {  	v29 =	vmul.f32 $1.428571490e-01, v19;
	v25 =	vmul.f32 $1.428571490e-01, v24;
	v28 =	vadd.f32 v17, v17  }
0x48: {  	v30 =	vmul.f32 $1.428571490e-01, v26;
	v12 =	vmul.f32 v12, v12;
	v31 =	vadd.f32 v13, v13  }
0x49: {  	v32 =	vmul.f32 $1.428571490e-01, v27;
	v17 =	vmul.f32 v17, v17;
	v33 =	vadd.f32 v14, v14  }
0x4a: {  	v29 =	vadd.f32 $2.000000030e-01, v29;
	v13 =	vmul.f32 v13, v13;
	v14 =	vmul.f32 v14, v14  }
0x4b: {  	v35 =	vmul.f32 $1.428571490e-01, v12;
	v25 =	vadd.f32 $2.000000030e-01, v25;
	v34 =	vmul.f32 $1.428571490e-01, v17  }
0x4c: {  	v30 =	vadd.f32 $2.000000030e-01, v30;
	v37 =	vmul.f32 $1.428571490e-01, v13;
	v36 =	vmul.f32 $1.428571490e-01, v14  }
0x4d: {  	v29 =	vmul.f32 v29, v19;
	v32 =	vadd.f32 $2.000000030e-01, v32;
	v25 =	vmul.f32 v25, v24  }
0x4e: {  	v30 =	vmul.f32 v30, v26;
	v35 =	vadd.f32 $2.000000030e-01, v35;
	v36 =	vadd.f32 $2.000000030e-01, v36  }
0x4f: {  	v32 =	vmul.f32 v32, v27;
	v34 =	vadd.f32 $2.000000030e-01, v34;
	v37 =	vadd.f32 $2.000000030e-01, v37  }
0x50: {  	v29 =	vadd.f32 $3.333333430e-01, v29;
	v25 =	vadd.f32 $3.333333430e-01, v25;
	v36 =	vmul.f32 v36, v14  }
0x51: {  	v30 =	vadd.f32 $3.333333430e-01, v30;
	v35 =	vmul.f32 v35, v12;
	v34 =	vmul.f32 v34, v17  }
0x52: {  	v32 =	vadd.f32 $3.333333430e-01, v32;
	v37 =	vmul.f32 v37, v13;
	v36 =	vadd.f32 $3.333333430e-01, v36  }
0x53: {  	v19 =	vmul.f32 v29, v19;
	v24 =	vmul.f32 v25, v24;
	v25 =	vadd.f32 $3.333333430e-01, v35  }
0x54: {  	v27 =	vmul.f32 v32, v27;
	v29 =	vadd.f32 $3.333333430e-01, v37;
	v14 =	vmul.f32 v36, v14  }
0x55: {  	v26 =	vmul.f32 v30, v26;
	v19 =	vadd.f32 $1.000000000e+00, v19;
	v30 =	vadd.f32 $3.333333430e-01, v34  }
0x56: {  	v27 =	vadd.f32 $1.000000000e+00, v27;
	v13 =	vmul.f32 v29, v13;
	v14 =	vadd.f32 $1.000000000e+00, v14  }
0x57: {  	v26 =	vadd.f32 $1.000000000e+00, v26;
	v24 =	vadd.f32 $1.000000000e+00, v24;
	v17 =	vmul.f32 v30, v17  }
0x58: {  	v21 =	vmul.f32 v27, v21;
	v13 =	vadd.f32 $1.000000000e+00, v13;
	v14 =	vmul.f32 v14, v33  }
0x59: {  	v12 =	vmul.f32 v25, v12;
	v20 =	vmul.f32 v26, v20;
	v17 =	vadd.f32 $1.000000000e+00, v17  }
0x5a: {  	v15 =	vadd.f32 v21, v15;
	v13 =	vmul.f32 v13, v31;
	v14 =	vadd.f32 v14, v16  }
0x5b: {  	v12 =	vadd.f32 $1.000000000e+00, v12;
	v11 =	vadd.f32 v20, v11;
	v16 =	vmul.f32 v24, v18  }
0x5c: {  	s12 =	sshra.s32 s11, $0x2;
	v10 =	vadd.f32 v13, v10;
	v13 =	vmul.f32 v17, v28;
	v14 =	vsub.f32 v15, v14  }
0x5d: {  	v12 =	vmul.f32 v12, v23;
	v7 =	vadd.f32 v16, v7;
	v16 =	vmul.f32 v19, v22;
	v15 =	vld [tilespmem:s12+$0x23]  }
0x5e: {  	v10 =	vsub.f32 v11, v10;
	v9 =	vadd.f32 v13, v9;
	v14 =	vmul.f32 v14, v3;
	v17 =	vld [tilespmem:s12+$0x20]  }
0x5f: {  	vm1 =	veq.f32 v3, $0.0e+00;
	v8 =	vadd.f32 v12, v8;
	v6 =	vadd.f32 v16, v6;
	v11 =	vld [tilespmem:s12+$0x4023]  }
0x60: {  	v10 =	vmul.f32 v10, v4;
	v7 =	vsub.f32 v7, v9;
	v13 =	vsel vm1, $0x0, v14;
	v12 =	vld [tilespmem:s12+$0x10]  }
0x61: {  	vm1 =	veq.f32 v4, $0.0e+00;
	v4 =	vsub.f32 v6, v8;
	v5 =	vadd.f32 v13, v5;
	v3 =	vld [tilespmem:s12+$0x0]  }
0x62: {  	v7 =	vmul.f32 v7, v2;
	v8 =	vsel vm1, $0x0, v10;
	vm1 =	veq.f32 v1, $0.0e+00;
	v6 =	vld [tilespmem:s12+$0x4020]  }
0x63: {  	vm2 =	veq.f32 v2, $0.0e+00;
	v16 =	vmul.f32 v4, v1;
	v5 =	vadd.f32 v8, v5;
	v1 =	vmovc v15;
	v9 =	vld [tilespmem:s12+$0x4010];
	v2 =	vmovc v17  }
0x64: {  	v7 =	vsel vm2, $0x0, v7;
	v13 =	vshrl.u32 v1, $0x17;
	v8 =	vld [tilespmem:s12+$0x4000];
	v10 =	vshrl.u32 v2, $0x17  }
0x65: {  	v5 =	vadd.f32 v7, v5;
	v7 =	vsel vm1, $0x0, v16;
	v14 =	vshrl.u32 v12, $0x17;
	v4 =	vmovc v12  }
0x66: {  	v15 =	vand.u32 $0x7FFFFF, v1;
	v7 =	vsel vm0, $0x0, v7;
	v12 =	vshrl.u32 v3, $0x17  }
0x67: {  	v16 =	vand.u32 $0x7FFFFF, v2;
	v11 =	vadd.f32 $1.000000020e-16, v11;
	v5 =	vadd.f32 v7, v5  }
0x68: {  	v7 =	vand.u32 $0x7FFFFF, v3;
	v17 =	vand.u32 $0x7FFFFF, v4;
	v6 =	vadd.f32 $1.000000020e-16, v6  }
0x69: {  	v18 =	vand.u32 $0xFF, v13;
	v9 =	vadd.f32 $1.000000020e-16, v9;
	v8 =	vadd.f32 $1.000000020e-16, v8  }
0x6a: {  	v20 =	vand.u32 $0xFF, v10;
	v14 =	vand.u32 $0xFF, v14;
	v19 =	vand.u32 $0xFF, v12  }
0x6b: {  	v15 =	vor.u32 $0x3F800000, v15;
	v16 =	vor.u32 $0x3F800000, v16;
	v17 =	vor.u32 $0x3F800000, v17  }
0x6c: {  	v10 =	vshrl.u32 v11, $0x17;
	v22 =	vor.u32 $0x3F800000, v7;
	v7 =	vshrl.u32 v6, $0x17  }
0x6d: {  	vm1 =	vgt.f32 v15, $1.414213540e+00;
	v13 =	vshrl.u32 v9, $0x17;
	v12 =	vshrl.u32 v8, $0x17  }
0x6e: {  	v27 =	vmul.f32 $5.000000000e-01, v15;
	vm4 =	vgt.f32 v16, $1.414213540e+00;
	v26 =	vmul.f32 $5.000000000e-01, v16  }
0x6f: {  	v21 =	vand.u32 $0x7FFFFF, v11;
	vm3 =	vgt.f32 v17, $1.414213540e+00;
	v28 =	vmul.f32 $5.000000000e-01, v17  }
0x70: {  	vm2 =	vgt.f32 v22, $1.414213540e+00;
	v29 =	vmul.f32 $5.000000000e-01, v22;
	v6 =	vand.u32 $0x7FFFFF, v6  }
0x71: {  	v25 =	vsel vm1, $0xFFFFFF82, v0;
	v24 =	vand.u32 $0x7FFFFF, v9;
	v23 =	vand.u32 $0x7FFFFF, v8  }
0x72: {  	v30 =	vsel vm4, $0xFFFFFF82, v0;
	v9 =	vand.u32 $0xFF, v7;
	v7 =	vand.u32 $0xFF, v10  }
0x73: {  	v31 =	vsel vm2, $0xFFFFFF82, v0;
	v32 =	vsel vm3, $0xFFFFFF82, v0;
	v10 =	vand.u32 $0xFF, v13  }
0x74: {  	v11 =	vor.u32 $0x3F800000, v6;
	v8 =	vand.u32 $0xFF, v12;
	v12 =	vor.u32 $0x3F800000, v21  }
0x75: {  	v13 =	vor.u32 $0x3F800000, v24;
	v6 =	vor.u32 $0x3F800000, v23;
	v23 =	vadd.s32 v18, v25  }
.Ltmp0:
0x76: {  	v24 =	vadd.s32 v14, v32;
	v21 =	vadd.s32 v19, v31;
	v25 =	vadd.s32 v20, v30;
	(pc) =	sbr.rel @p0 .LBB2_2-.Ltmp0, $4  }
0x77: {  	v16 =	vsel vm4, v26, v16;
	v19 =	vsel vm1, v27, v15;
	vm1 =	vgt.f32 v12, $1.414213540e+00  }
0x78: {  	v20 =	vsel vm3, v28, v17;
	vm3 =	vgt.f32 v11, $1.414213540e+00;
	v14 =	vmul.f32 $5.000000000e-01, v12  }
0x79: {  	v22 =	vsel vm2, v29, v22;
	vm4 =	vgt.f32 v13, $1.414213540e+00;
	v17 =	vmul.f32 $5.000000000e-01, v11  }
0x7a: {  	s11 =	sadd.s32 $0x200, s11;
	v18 =	vmul.f32 $5.000000000e-01, v13;
	vm2 =	vgt.f32 v6, $1.414213540e+00;
	v15 =	vmul.f32 $5.000000000e-01, v6  }
0x7b: {  	v25 =	vcvt.s32.f32 v25;
	v23 =	vcvt.s32.f32 v23;
	v26 =	vsel vm1, $0xFFFFFF82, v0  }
0x7c: {  	v24 =	vcvt.s32.f32 v24;
	v27 =	vsel vm3, $0xFFFFFF82, v0;
	v28 =	vadd.f32 $-1.000000000e+00, v19  }
0x7d: {  	v21 =	vcvt.s32.f32 v21;
	v29 =	vadd.f32 $-1.000000000e+00, v20;
	v32 =	vsel vm4, $0xFFFFFF82, v0  }
0x7e: {  	v51 =	vadd.f32 $1.000000000e+00, v19;
	v33 =	vsel vm2, $0xFFFFFF82, v0;
	v52 =	vadd.f32 $1.000000000e+00, v20  }
0x7f: {  	v53 =	vadd.f32 $1.000000000e+00, v16;
	v54 =	vadd.f32 $1.000000000e+00, v22;
	v11 =	vsel vm3, v17, v11  }
0x80: {  	v12 =	vsel vm1, v14, v12;
	v7 =	vadd.s32 v7, v26;
	(erf) = vrcp.f32 v51  }
0x81: {  	v13 =	vsel vm4, v18, v13;
	v14 =	vadd.f32 $1.000000000e+00, v12;
	(erf) = vrcp.f32 v53  }
0x82: {  	v6 =	vsel vm2, v15, v6;
	v55 =	vadd.f32 $1.000000000e+00, v11;
	(erf) = vrcp.f32 v52  }
0x83: {  	v9 =	vadd.s32 v9, v27;
	v17 =	vmul.f32 $6.931471820e-01, v23;
	(erf) = vrcp.f32 v54  }
0x84: {  	v10 =	vadd.s32 v10, v32;
	v18 =	vmul.f32 $6.931471820e-01, v25;
	v7 =	vcvt.s32.f32 v7  }
0x85: {  	v56 =	vadd.f32 $1.000000000e+00, v13;
	v58 =	vmul.f32 $6.931471820e-01, v24;
	(erf) = vrcp.f32 v14  }
0x86: {  	v8 =	vadd.s32 v8, v33;
	v59 =	vmul.f32 $6.931471820e-01, v21;
	(erf) = vrcp.f32 v55  }
0x87: {  	v57 =	vadd.f32 $1.000000000e+00, v6;
	v9 =	vcvt.s32.f32 v9;
	(erf) = vrcp.f32 v56  }
0x88: {  	v30 =	vadd.f32 $-1.000000000e+00, v16;
	v8 =	vcvt.s32.f32 v8;
	v10 =	vcvt.s32.f32 v10  }
0x89: {  	v31 =	vadd.f32 $-1.000000000e+00, v22;
	v9 =	vmul.f32 $6.931471820e-01, v9;
	(erf) = vrcp.f32 v57;
	v60 =	vpop (erf)  }
0x8a: {  	v12 =	vadd.f32 $-1.000000000e+00, v12;
	v7 =	vmul.f32 $6.931471820e-01, v7;
	v10 =	vmul.f32 $6.931471820e-01, v10;
	v61 =	vpop (erf)  }
0x8b: {  	v11 =	vadd.f32 $-1.000000000e+00, v11;
	v8 =	vmul.f32 $6.931471820e-01, v8;
	v16 =	vmul.f32 v60, v28;
	v20 =	vpop (erf)  }
0x8c: {  	v13 =	vadd.f32 $-1.000000000e+00, v13;
	v19 =	vmul.f32 v61, v30;
	v62 =	vpop (erf);
	v20 =	vmul.f32 v20, v29  }
0x8d: {  	v63 =	vadd.f32 v16, v16;
	v16 =	vmul.f32 v16, v16;
	v21 =	vmul.f32 v62, v31  }
0x8e: {  	v6 =	vadd.f32 $-1.000000000e+00, v6;
	v39 =	vpop (erf);
	v40 =	vmul.f32 v19, v19;
	v42 =	vmul.f32 v20, v20  }
0x8f: {  	v19 =	vadd.f32 v19, v19;
	v41 =	vpop (erf);
	v12 =	vmul.f32 v39, v12;
	v49 =	vmul.f32 $1.428571490e-01, v16  }
0x90: {  	v20 =	vadd.f32 v20, v20;
	v43 =	vpop (erf);
	v44 =	vmul.f32 v21, v21;
	v11 =	vmul.f32 v41, v11  }
0x91: {  	v21 =	vadd.f32 v21, v21;
	v47 =	vmul.f32 $1.428571490e-01, v40;
	v13 =	vmul.f32 v43, v13  }
0x92: {  	v45 =	vpop (erf);
	v46 =	vadd.f32 v12, v12;
	v50 =	vmul.f32 $1.428571490e-01, v42;
	v12 =	vmul.f32 v12, v12  }
0x93: {  	v29 =	vadd.f32 $2.000000030e-01, v49;
	v6 =	vmul.f32 v45, v6;
	v48 =	vadd.f32 v11, v11  }
0x94: {  	v52 =	vmul.f32 $1.428571490e-01, v44;
	v11 =	vmul.f32 v11, v11;
	v51 =	vadd.f32 v13, v13  }
0x95: {  	v13 =	vmul.f32 v13, v13;
	v53 =	vadd.f32 v6, v6;
	v6 =	vmul.f32 v6, v6  }
0x96: {  	v25 =	vadd.f32 $2.000000030e-01, v47;
	v35 =	vmul.f32 $1.428571490e-01, v12;
	v29 =	vmul.f32 v29, v16  }
0x97: {  	v30 =	vadd.f32 $2.000000030e-01, v50;
	v34 =	vmul.f32 $1.428571490e-01, v11;
	v36 =	vmul.f32 $1.428571490e-01, v6  }
0x98: {  	v32 =	vadd.f32 $2.000000030e-01, v52;
	v25 =	vmul.f32 v25, v40;
	v37 =	vmul.f32 $1.428571490e-01, v13  }
0x99: {  	v30 =	vmul.f32 v30, v42;
	v35 =	vadd.f32 $2.000000030e-01, v35;
	v36 =	vadd.f32 $2.000000030e-01, v36  }
0x9a: {  	v29 =	vadd.f32 $3.333333430e-01, v29;
	v32 =	vmul.f32 v32, v44;
	v34 =	vadd.f32 $2.000000030e-01, v34  }
0x9b: {  	v25 =	vadd.f32 $3.333333430e-01, v25;
	v37 =	vadd.f32 $2.000000030e-01, v37;
	v36 =	vmul.f32 v36, v6  }
0x9c: {  	v30 =	vadd.f32 $3.333333430e-01, v30;
	v35 =	vmul.f32 v35, v12;
	v16 =	vmul.f32 v29, v16  }
0x9d: {  	v32 =	vadd.f32 $3.333333430e-01, v32;
	v37 =	vmul.f32 v37, v13;
	v36 =	vadd.f32 $3.333333430e-01, v36  }
0x9e: {  	v34 =	vmul.f32 v34, v11;
	v24 =	vmul.f32 v25, v40;
	v54 =	vadd.f32 $3.333333430e-01, v35  }
0x9f: {  	v27 =	vmul.f32 v32, v44;
	v55 =	vadd.f32 $3.333333430e-01, v37;
	v6 =	vmul.f32 v36, v6  }
0xa0: {  	v26 =	vmul.f32 v30, v42;
	v16 =	vadd.f32 $1.000000000e+00, v16;
	v56 =	vadd.f32 $3.333333430e-01, v34  }
0xa1: {  	v27 =	vadd.f32 $1.000000000e+00, v27;
	v13 =	vmul.f32 v55, v13;
	v6 =	vadd.f32 $1.000000000e+00, v6  }
0xa2: {  	v24 =	vadd.f32 $1.000000000e+00, v24;
	v26 =	vadd.f32 $1.000000000e+00, v26;
	v11 =	vmul.f32 v56, v11  }
0xa3: {  	v21 =	vmul.f32 v27, v21;
	v13 =	vadd.f32 $1.000000000e+00, v13;
	v6 =	vmul.f32 v6, v53  }
0xa4: {  	v12 =	vmul.f32 v54, v12;
	v20 =	vmul.f32 v26, v20;
	v11 =	vadd.f32 $1.000000000e+00, v11  }
0xa5: {  	v14 =	vadd.f32 v21, v59;
	v57 =	vmul.f32 v13, v51;
	v6 =	vadd.f32 v6, v8  }
0xa6: {  	v12 =	vadd.f32 $1.000000000e+00, v12;
	v58 =	vadd.f32 v20, v58;
	v59 =	vmul.f32 v24, v19  }
0xa7: {  	v60 =	vmul.f32 v11, v48;
	v8 =	vadd.f32 v57, v10;
	v6 =	vsub.f32 v14, v6  }
0xa8: {  	v62 =	vmul.f32 v16, v63;
	v12 =	vmul.f32 v12, v46;
	v61 =	vadd.f32 v59, v18  }
0xa9: {  	v9 =	vadd.f32 v60, v9;
	v8 =	vsub.f32 v58, v8;
	v6 =	vmul.f32 v6, v3  }
0xaa: {  	vm1 =	veq.f32 v3, $0.0e+00;
	v7 =	vadd.f32 v12, v7;
	v3 =	vadd.f32 v62, v17  }
0xab: {  	v9 =	vsub.f32 v61, v9;
	v8 =	vmul.f32 v8, v4;
	v6 =	vsel vm1, $0x0, v6  }
0xac: {  	vm1 =	veq.f32 v4, $0.0e+00;
	v3 =	vsub.f32 v3, v7;
	v5 =	vadd.f32 v6, v5  }
0xad: {  	v63 =	vmul.f32 v9, v2;
	v4 =	vsel vm1, $0x0, v8  }
0xae: {  	vm1 =	veq.f32 v2, $0.0e+00;
	v2 =	vmul.f32 v3, v1;
	v4 =	vadd.f32 v4, v5  }
0xaf: {  	vm2 =	veq.f32 v1, $0.0e+00;
	v1 =	vsel vm1, $0x0, v63  }
0xb0: {  	v2 =	vsel vm2, $0x0, v2;
	v1 =	vadd.f32 v1, v4  }
0xb1: {  	v2 =	vsel vm0, $0x0, v2  }
0xb2: {  	s10 =	sadd.s32 $0x1, s10;
	v1 =	vadd.f32 v2, v1  }
0xb3: {  	p0 =	sne.s32 s10, s6  }
.Ltmp1:
0xb4: {  	[tilespmem:$0x8000] =	vst v1;
	(pc) =	sbr.rel @p0 .LBB2_1-.Ltmp1, $4  }
0xb5: {  	[hbm4b:s5+s2] =	stream.linear.scatter [tilespmem:s9], [sflag:$0x1], $0x10, $0x38;
	[tilespmem:$0x8080] =	vst v63  }
0xb6: {  	_ =	swait.ge [sflag:s7], $0x10  }
0xb7: {  	[sflag:s7] =	ssyncset.done $0x0  }
0xb8: {  	[sflag:s7] =	ssyncadd.s32 $0xFFFFFFF0  }
0xb9: {  	_ =	sfence.sel $0x180000  }
0xba: {  	[bflag:$0x0] =	sbarrier.arrive $0xFFFF  }
0xbb: {  	p0 =	sne.s32 s1, $0x0;
	_ =	strace $0x90000047  }
0xbc: {  	s0 =	sadd.s32 @!p0 $0x100000, s0;
	[bflag:$0x2] =	sbarrier.arrive $0xFFFF  }
0xbd: {  	[sflag:s0] =	ssyncadd.tile.s32 @!p0 $0x1;
	_ =	shalt  }
.Lfunc_end2:
_tile_overlayer_lowered:
.L_overlay_start_2:
0xbe: {  	(tag) =	ssettag $0x2  }
0xbf: {  	s0 =	rddreg [dreg:$0x0];
	s2 =	stileid.u32  }
0xc0: {  	s1 =	rddreg [dreg:$0x1];
	p0 =	sne.s32 s2, $0x0  }
0xc1: {  	s3 =	rddreg [dreg:$0x2];
	[bflag:$0x3] =	sbarrier.arrive $0xFFFF;
	s2 =	simm.s32 @!p0 $0x1C01  }
0xc2: {  	[timem:s3], [sflag:s2] =	dma.local @!p0 [hbm:s0], s1  }
0xc3: {  	s0 =	simm.s32 @!p0 $0x1  }
0xc4: {  	_ =	swait.ge @!p0 [sflag:s0], s1  }
0xc5: {  	s1 =	ssub.s32 @!p0 $0x0, s1;
	[sflag:s0] =	ssyncset.done @!p0 $0x0  }
0xc6: {  	[sflag:s0] =	ssyncadd.s32 @!p0 s1  }
0xc7: {  	[bflag:$0x3] =	sbarrier.arrive $0xFFFF  }
0xc8: {  	_ =	shalt  }

</sc_bundles>
